<compile_context>
chip_gen: v7x
topology: tpu7x:2x2x1
jax: 0.10.2.dev20260603
libtpu: 0.0.44.dev20260713+nightly
codegen_flags: <defaults>
</compile_context>

<pallas_src>
import functools

import jax
import jax.numpy as jnp
from jax import lax
from jax.experimental import pallas as pl
from jax.experimental.pallas import tpu as pltpu
from jax.experimental.pallas import tpu_sc as plsc

D_MODEL = 1024
LANES = 16

NUM_CORES = 2
NUM_SUBCORES = 16
NW = NUM_CORES * NUM_SUBCORES

COL_GROUPS = 4
COLS = D_MODEL // COL_GROUPS
TOK_GROUPS = NW // COL_GROUPS
TB = 32


@functools.partial(jax.jit, static_argnames=("L",))
def _pos_encode(pos_x_rs, pos_y_rs, stab_rs, tx, ty, ts, *, L):
    tok_per_w = L // TOK_GROUPS
    n_blocks = tok_per_w // TB
    n_rows = pos_x_rs.shape[1]
    mesh = plsc.VectorSubcoreMesh(core_axis_name="c", subcore_axis_name="s")

    @functools.partial(
        pl.kernel,
        out_type=jax.ShapeDtypeStruct((L, D_MODEL), jnp.float32),
        mesh=mesh,
        compiler_params=pltpu.CompilerParams(needs_layout_passes=False),
        scratch_types=[
            pltpu.VMEM((tok_per_w,), jnp.int32),
            pltpu.VMEM((tok_per_w,), jnp.int32),
            pltpu.VMEM((tok_per_w,), jnp.int32),
            pltpu.VMEM((n_rows, COLS), jnp.float32),
            pltpu.VMEM((n_rows, COLS), jnp.float32),
            pltpu.VMEM((2, COLS), jnp.float32),
            [pltpu.VMEM((TB, COLS), jnp.float32)] * 2,
            [pltpu.SemaphoreType.DMA] * 2,
        ],
    )
    def body(pos_x_hbm, pos_y_hbm, stab_hbm, tx_hbm, ty_hbm, ts_hbm, out_hbm,
             tx_v, ty_v, ts_v, px_s, py_s, stab_s, stg, sem_o):
        wid = lax.axis_index("s") * NUM_CORES + lax.axis_index("c")
        tg = wid // COL_GROUPS
        cg = wid % COL_GROUPS
        tok0 = tg * tok_per_w

        pltpu.sync_copy(tx_hbm.at[pl.ds(tok0, tok_per_w)], tx_v)
        pltpu.sync_copy(ty_hbm.at[pl.ds(tok0, tok_per_w)], ty_v)
        pltpu.sync_copy(ts_hbm.at[pl.ds(tok0, tok_per_w)], ts_v)
        pltpu.sync_copy(pos_x_hbm.at[cg], px_s)
        pltpu.sync_copy(pos_y_hbm.at[cg], py_s)
        pltpu.sync_copy(stab_hbm.at[cg], stab_s)

        iota = lax.iota(jnp.int32, LANES)
        n_slices = COLS // LANES
        stab0 = [stab_s[0, pl.ds(j * LANES, LANES)] for j in range(n_slices)]
        stab1 = [stab_s[1, pl.ds(j * LANES, LANES)] for j in range(n_slices)]

        def out_window(blk):
            return out_hbm.at[pl.ds(tok0 + blk * TB, TB),
                              pl.ds(cg * COLS, COLS)]

        def pair_body(blk2, _):
            for s in range(2):
                blk = blk2 * 2 + s

                @pl.when(blk2 > 0)
                def _():
                    pltpu.make_async_copy(stg[s], out_window(blk),
                                          sem_o[s]).wait()

                def group_body(g, _):
                    gb = blk * TB + g * LANES
                    xr = tx_v[pl.ds(gb, LANES)]
                    yr = ty_v[pl.ds(gb, LANES)]
                    sr = ts_v[pl.ds(gb, LANES)]

                    def token_body(tt, _):
                        tsplat = jnp.full((LANES,), tt, jnp.int32)
                        xrow = xr.at[tsplat].get(mode="promise_in_bounds")
                        yrow = yr.at[tsplat].get(mode="promise_in_bounds")
                        srow = sr.at[tsplat].get(mode="promise_in_bounds")
                        smask = srow == 0
                        t = g * LANES + tt
                        batch = 8
                        for j0 in range(0, n_slices, batch):
                            vals = []
                            for j in range(j0, j0 + batch):
                                colj = j * LANES + iota
                                a = plsc.load_gather(px_s, [xrow, colj])
                                b = plsc.load_gather(py_s, [yrow, colj])
                                sv = jnp.where(smask, stab0[j], stab1[j])
                                vals.append(a + b + sv)
                            for j, v in zip(range(j0, j0 + batch), vals):
                                stg[s][t, pl.ds(j * LANES, LANES)] = v
                        return 0

                    lax.fori_loop(0, LANES, token_body, 0)
                    return 0

                lax.fori_loop(0, TB // LANES, group_body, 0)
                pltpu.async_copy(stg[s], out_window(blk), sem_o[s])
            return 0

        lax.fori_loop(0, n_blocks // 2, pair_body, 0)

        for s in range(2):
            pltpu.make_async_copy(stg[s], out_window(s), sem_o[s]).wait()

    return body(pos_x_rs, pos_y_rs, stab_rs, tx, ty, ts)


def kernel(x, pos_x, pos_y, stab, token_to_x, token_to_y, token_to_stab):
    L = x.shape[1]
    tx = token_to_x[:L].astype(jnp.int32)
    ty = token_to_y[:L].astype(jnp.int32)
    ts = token_to_stab[:L].astype(jnp.int32)
    pos_x_rs = pos_x.reshape(-1, COL_GROUPS, COLS).transpose(1, 0, 2)
    pos_y_rs = pos_y.reshape(-1, COL_GROUPS, COLS).transpose(1, 0, 2)
    stab_rs = stab.reshape(-1, COL_GROUPS, COLS).transpose(1, 0, 2)
    return _pos_encode(pos_x_rs, pos_y_rs, stab_rs, tx, ty, ts, L=L)

# --- scband reference (transcript-rebuilt; emitter-appended) ---
"""Pipeline reference for scband-learnable-positional-encoding2-d-3066606649715 (READ-ONLY COPY).

The authoritative reference and input builder live on the scoring server;
editing this copy changes nothing except your own understanding.
"""

import jax, jax.numpy as jnp
import numpy as np

D = 91
D_MODEL = 1024


def build_token_maps(d):
    n = d ** 2 - 1
    tx = np.zeros(n, dtype=np.int64)
    ty = np.zeros(n, dtype=np.int64)
    ts = np.zeros(n, dtype=np.int64)
    z_idx = n // 2 - 1
    x_idx = n - 1
    ts[:z_idx] = 0
    ts[z_idx:] = 1
    for x in range(2, 2 * d, 4):
        tx[x_idx] = x
        ty[x_idx] = 0
        x_idx -= 1
    for y in range(2, 2 * d, 2):
        yi = y % 4
        xs = range(yi, 2 * d + yi // 2, 2)
        for i, xv in enumerate(xs):
            if i % 2 == 0:
                tx[z_idx] = xv
                ty[z_idx] = y
                z_idx -= 1
            elif i % 2 == 1:
                tx[x_idx] = xv
                ty[x_idx] = y
                x_idx -= 1
    for x in range(4, 2 * d, 4):
        tx[x_idx] = x
        ty[x_idx] = 2 * d
        x_idx -= 1
    return tx, ty, ts


def setup_inputs(seed: int = 0):
    key = jax.random.key(seed)
    k1, k2, k3, k4 = jax.random.split(key, 4)
    x = jax.random.normal(k1, (2, 8192, D_MODEL), dtype=jnp.float32)
    pos_x = jax.random.normal(k2, (2 * D + 1, D_MODEL), dtype=jnp.float32)
    pos_y = jax.random.normal(k3, (2 * D + 1, D_MODEL), dtype=jnp.float32)
    stab = jax.random.normal(k4, (2, D_MODEL), dtype=jnp.float32)
    tx, ty, ts = build_token_maps(D)
    return {
        "x": x,
        "pos_x": pos_x,
        "pos_y": pos_y,
        "stab": stab,
        "token_to_x": jnp.asarray(tx),
        "token_to_y": jnp.asarray(ty),
        "token_to_stab": jnp.asarray(ts),
    }


def reference(x, pos_x, pos_y, stab, token_to_x, token_to_y, token_to_stab):
    L = x.shape[1]
    return (
        jnp.take(pos_x, token_to_x[:L], axis=0)
        + jnp.take(pos_y, token_to_y[:L], axis=0)
        + jnp.take(stab, token_to_stab[:L], axis=0)
    )

if __name__ == "__main__":
    import jax
    _d = setup_inputs()
    print(jax.jit(kernel)(*tuple(_d.values())))

</pallas_src>

<mosaic_0001>
#map = affine_map<(d0, d1) -> (0, 0, 0)>
#map1 = affine_map<(d0, d1) -> (0)>
#map2 = affine_map<(d0, d1) -> (0, 0)>
module attributes {stable_mosaic.version = 14 : i64} {
  func.func @body(%arg0: i32, %arg1: i32, %arg2: memref<4x183x256xf32, #tpu.memory_space<hbm>>, %arg3: memref<4x183x256xf32, #tpu.memory_space<hbm>>, %arg4: memref<4x2x256xf32, #tpu.memory_space<hbm>>, %arg5: memref<8192xi32, #tpu.memory_space<hbm>>, %arg6: memref<8192xi32, #tpu.memory_space<hbm>>, %arg7: memref<8192xi32, #tpu.memory_space<hbm>>, %arg8: memref<8192x1024xf32, #tpu.memory_space<hbm>>, %arg9: memref<1024xi32, #tpu.memory_space<vmem>>, %arg10: memref<1024xi32, #tpu.memory_space<vmem>>, %arg11: memref<1024xi32, #tpu.memory_space<vmem>>, %arg12: memref<183x256xf32, #tpu.memory_space<vmem>>, %arg13: memref<183x256xf32, #tpu.memory_space<vmem>>, %arg14: memref<2x256xf32, #tpu.memory_space<vmem>>, %arg15: memref<32x256xf32, #tpu.memory_space<vmem>>, %arg16: memref<32x256xf32, #tpu.memory_space<vmem>>, %arg17: memref<!tpu.dma_semaphore, #tpu.memory_space<semaphore_mem>>, %arg18: memref<!tpu.dma_semaphore, #tpu.memory_space<semaphore_mem>>) attributes {dimension_semantics = [#tpu.dimension_semantics<core_parallel>, #tpu.dimension_semantics<subcore_parallel>], iteration_bounds = array<i64: 2, 16>, scalar_prefetch = 0 : i64, scratch_operands = 10 : i64, tpu.core_type = #tpu.core_type<sc_vector_subcore>, window_params = [{transform_indices = #map}, {transform_indices = #map}, {transform_indices = #map}, {transform_indices = #map1}, {transform_indices = #map1}, {transform_indices = #map1}, {transform_indices = #map2}]} {
    %mul3A = arith.constant 2 : i32
    %mul3A_0 = arith.muli %arg1, %mul3A : i32
    %add3A = arith.addi %mul3A_0, %arg0 : i32
    %jit3A = arith.constant 4 : i32
    %div3A = arith.divsi %add3A, %jit3A : i32
    %sign3A = arith.constant 0 : i32
    %sign3A_1 = arith.cmpi sgt, %add3A, %sign3A : i32
    %sign3A_2 = arith.extui %sign3A_1 : i1 to i32
    %sign3A_3 = arith.constant 0 : i32
    %sign3A_4 = arith.cmpi slt, %add3A, %sign3A_3 : i32
    %sign3A_5 = arith.extui %sign3A_4 : i1 to i32
    %sign3A_6 = arith.subi %sign3A_2, %sign3A_5 : i32
    %sign3A_7 = arith.constant 0 : i32
    %sign3A_8 = arith.cmpi sgt, %jit3A, %sign3A_7 : i32
    %sign3A_9 = arith.extui %sign3A_8 : i1 to i32
    %sign3A_10 = arith.constant 0 : i32
    %sign3A_11 = arith.cmpi slt, %jit3A, %sign3A_10 : i32
    %sign3A_12 = arith.extui %sign3A_11 : i1 to i32
    %sign3A_13 = arith.subi %sign3A_9, %sign3A_12 : i32
    %ne3A = arith.cmpi ne, %sign3A_6, %sign3A_13 : i32
    %rem3A = arith.remsi %add3A, %jit3A : i32
    %ne3A_14 = arith.constant 0 : i32
    %ne3A_15 = arith.cmpi ne, %rem3A, %ne3A_14 : i32
    %and3A = arith.andi %ne3A, %ne3A_15 : i1
    %sub3A = arith.constant 1 : i32
    %sub3A_16 = arith.subi %div3A, %sub3A : i32
    %select_n3A = arith.select %and3A, %sub3A_16, %div3A : i32
    %jit3A_17 = arith.constant 4 : i32
    %eq3A = arith.constant 0 : i32
    %eq3A_18 = arith.cmpi eq, %jit3A_17, %eq3A : i32
    %jit3A_19 = arith.constant 1 : i32
    %select_n3A_20 = arith.select %eq3A_18, %jit3A_19, %jit3A_17 : i32
    %rem3A_21 = arith.remsi %add3A, %select_n3A_20 : i32
    %ne3A_22 = arith.constant 0 : i32
    %ne3A_23 = arith.cmpi ne, %rem3A_21, %ne3A_22 : i32
    %lt3A = arith.constant 0 : i32
    %lt3A_24 = arith.cmpi slt, %rem3A_21, %lt3A : i32
    %lt3A_25 = arith.constant 0 : i32
    %lt3A_26 = arith.cmpi slt, %select_n3A_20, %lt3A_25 : i32
    %ne3A_27 = arith.xori %lt3A_24, %lt3A_26 : i1
    %and3A_28 = arith.andi %ne3A_27, %ne3A_23 : i1
    %add3A_29 = arith.addi %rem3A_21, %select_n3A_20 : i32
    %select_n3A_30 = arith.select %and3A_28, %add3A_29, %rem3A_21 : i32
    %mul3A_31 = arith.constant 1024 : i32
    %mul3A_32 = arith.muli %select_n3A, %mul3A_31 : i32
    "tpu.region"() ({
      %run_scoped3A = tpu.sem_alloc : memref<!tpu.dma_semaphore, #tpu.memory_space<semaphore_mem>>
      %dma_start3A = tpu.memref_slice %arg5[%mul3A_32] : memref<8192xi32, #tpu.memory_space<hbm>> -> memref<1024xi32, #tpu.memory_space<hbm>>
      %dma_start3A_177 = tpu.memref_slice %arg5[%mul3A_32] : memref<8192xi32, #tpu.memory_space<hbm>> -> memref<1024xi32, #tpu.memory_space<hbm>>
      tpu.enqueue_dma source(%dma_start3A_177 : memref<1024xi32, #tpu.memory_space<hbm>>) target(%arg9 : memref<1024xi32, #tpu.memory_space<vmem>>) target_semaphore(%run_scoped3A : memref<!tpu.dma_semaphore, #tpu.memory_space<semaphore_mem>>)
      %dma_wait3A_178 = tpu.memref_slice %arg5[%mul3A_32] : memref<8192xi32, #tpu.memory_space<hbm>> -> memref<1024xi32, #tpu.memory_space<hbm>>
      %dma_wait3A_179 = tpu.memref_slice %arg5[%mul3A_32] : memref<8192xi32, #tpu.memory_space<hbm>> -> memref<1024xi32, #tpu.memory_space<hbm>>
      tpu.wait_dma2 semaphore(%run_scoped3A : memref<!tpu.dma_semaphore, #tpu.memory_space<semaphore_mem>>) src(%dma_wait3A_179 : memref<1024xi32, #tpu.memory_space<hbm>>) dst(%arg9 : memref<1024xi32, #tpu.memory_space<vmem>>)
      tpu.yield
    }) : () -> ()
    "tpu.region"() ({
      %run_scoped3A = tpu.sem_alloc : memref<!tpu.dma_semaphore, #tpu.memory_space<semaphore_mem>>
      %dma_start3A = tpu.memref_slice %arg6[%mul3A_32] : memref<8192xi32, #tpu.memory_space<hbm>> -> memref<1024xi32, #tpu.memory_space<hbm>>
      %dma_start3A_177 = tpu.memref_slice %arg6[%mul3A_32] : memref<8192xi32, #tpu.memory_space<hbm>> -> memref<1024xi32, #tpu.memory_space<hbm>>
      tpu.enqueue_dma source(%dma_start3A_177 : memref<1024xi32, #tpu.memory_space<hbm>>) target(%arg10 : memref<1024xi32, #tpu.memory_space<vmem>>) target_semaphore(%run_scoped3A : memref<!tpu.dma_semaphore, #tpu.memory_space<semaphore_mem>>)
      %dma_wait3A_178 = tpu.memref_slice %arg6[%mul3A_32] : memref<8192xi32, #tpu.memory_space<hbm>> -> memref<1024xi32, #tpu.memory_space<hbm>>
      %dma_wait3A_179 = tpu.memref_slice %arg6[%mul3A_32] : memref<8192xi32, #tpu.memory_space<hbm>> -> memref<1024xi32, #tpu.memory_space<hbm>>
      tpu.wait_dma2 semaphore(%run_scoped3A : memref<!tpu.dma_semaphore, #tpu.memory_space<semaphore_mem>>) src(%dma_wait3A_179 : memref<1024xi32, #tpu.memory_space<hbm>>) dst(%arg10 : memref<1024xi32, #tpu.memory_space<vmem>>)
      tpu.yield
    }) : () -> ()
    "tpu.region"() ({
      %run_scoped3A = tpu.sem_alloc : memref<!tpu.dma_semaphore, #tpu.memory_space<semaphore_mem>>
      %dma_start3A = tpu.memref_slice %arg7[%mul3A_32] : memref<8192xi32, #tpu.memory_space<hbm>> -> memref<1024xi32, #tpu.memory_space<hbm>>
      %dma_start3A_177 = tpu.memref_slice %arg7[%mul3A_32] : memref<8192xi32, #tpu.memory_space<hbm>> -> memref<1024xi32, #tpu.memory_space<hbm>>
      tpu.enqueue_dma source(%dma_start3A_177 : memref<1024xi32, #tpu.memory_space<hbm>>) target(%arg11 : memref<1024xi32, #tpu.memory_space<vmem>>) target_semaphore(%run_scoped3A : memref<!tpu.dma_semaphore, #tpu.memory_space<semaphore_mem>>)
      %dma_wait3A_178 = tpu.memref_slice %arg7[%mul3A_32] : memref<8192xi32, #tpu.memory_space<hbm>> -> memref<1024xi32, #tpu.memory_space<hbm>>
      %dma_wait3A_179 = tpu.memref_slice %arg7[%mul3A_32] : memref<8192xi32, #tpu.memory_space<hbm>> -> memref<1024xi32, #tpu.memory_space<hbm>>
      tpu.wait_dma2 semaphore(%run_scoped3A : memref<!tpu.dma_semaphore, #tpu.memory_space<semaphore_mem>>) src(%dma_wait3A_179 : memref<1024xi32, #tpu.memory_space<hbm>>) dst(%arg11 : memref<1024xi32, #tpu.memory_space<vmem>>)
      tpu.yield
    }) : () -> ()
    "tpu.region"() ({
      %run_scoped3A = tpu.sem_alloc : memref<!tpu.dma_semaphore, #tpu.memory_space<semaphore_mem>>
      %dma_start3A = arith.constant 0 : i32
      %dma_start3A_177 = arith.constant 0 : i32
      %dma_start3A_178 = tpu.memref_slice %arg2[%select_n3A_30, %dma_start3A, %dma_start3A_177] : memref<4x183x256xf32, #tpu.memory_space<hbm>> -> memref<1x183x256xf32, #tpu.memory_space<hbm>>
      %dma_start3A_179 = tpu.memref_squeeze %dma_start3A_178 : memref<1x183x256xf32, #tpu.memory_space<hbm>> -> memref<183x256xf32, #tpu.memory_space<hbm>>
      %dma_start3A_180 = arith.constant 0 : i32
      %dma_start3A_181 = arith.constant 0 : i32
      %dma_start3A_182 = tpu.memref_slice %arg2[%select_n3A_30, %dma_start3A_180, %dma_start3A_181] : memref<4x183x256xf32, #tpu.memory_space<hbm>> -> memref<1x183x256xf32, #tpu.memory_space<hbm>>
      %dma_start3A_183 = tpu.memref_squeeze %dma_start3A_182 : memref<1x183x256xf32, #tpu.memory_space<hbm>> -> memref<183x256xf32, #tpu.memory_space<hbm>>
      tpu.enqueue_dma source(%dma_start3A_183 : memref<183x256xf32, #tpu.memory_space<hbm>>) target(%arg12 : memref<183x256xf32, #tpu.memory_space<vmem>>) target_semaphore(%run_scoped3A : memref<!tpu.dma_semaphore, #tpu.memory_space<semaphore_mem>>)
      %dma_wait3A_184 = arith.constant 0 : i32
      %dma_wait3A_185 = arith.constant 0 : i32
      %dma_wait3A_186 = tpu.memref_slice %arg2[%select_n3A_30, %dma_wait3A_184, %dma_wait3A_185] : memref<4x183x256xf32, #tpu.memory_space<hbm>> -> memref<1x183x256xf32, #tpu.memory_space<hbm>>
      %dma_wait3A_187 = tpu.memref_squeeze %dma_wait3A_186 : memref<1x183x256xf32, #tpu.memory_space<hbm>> -> memref<183x256xf32, #tpu.memory_space<hbm>>
      %dma_wait3A_188 = arith.constant 0 : i32
      %dma_wait3A_189 = arith.constant 0 : i32
      %dma_wait3A_190 = tpu.memref_slice %arg2[%select_n3A_30, %dma_wait3A_188, %dma_wait3A_189] : memref<4x183x256xf32, #tpu.memory_space<hbm>> -> memref<1x183x256xf32, #tpu.memory_space<hbm>>
      %dma_wait3A_191 = tpu.memref_squeeze %dma_wait3A_190 : memref<1x183x256xf32, #tpu.memory_space<hbm>> -> memref<183x256xf32, #tpu.memory_space<hbm>>
      tpu.wait_dma2 semaphore(%run_scoped3A : memref<!tpu.dma_semaphore, #tpu.memory_space<semaphore_mem>>) src(%dma_wait3A_191 : memref<183x256xf32, #tpu.memory_space<hbm>>) dst(%arg12 : memref<183x256xf32, #tpu.memory_space<vmem>>)
      tpu.yield
    }) : () -> ()
    "tpu.region"() ({
      %run_scoped3A = tpu.sem_alloc : memref<!tpu.dma_semaphore, #tpu.memory_space<semaphore_mem>>
      %dma_start3A = arith.constant 0 : i32
      %dma_start3A_177 = arith.constant 0 : i32
      %dma_start3A_178 = tpu.memref_slice %arg3[%select_n3A_30, %dma_start3A, %dma_start3A_177] : memref<4x183x256xf32, #tpu.memory_space<hbm>> -> memref<1x183x256xf32, #tpu.memory_space<hbm>>
      %dma_start3A_179 = tpu.memref_squeeze %dma_start3A_178 : memref<1x183x256xf32, #tpu.memory_space<hbm>> -> memref<183x256xf32, #tpu.memory_space<hbm>>
      %dma_start3A_180 = arith.constant 0 : i32
      %dma_start3A_181 = arith.constant 0 : i32
      %dma_start3A_182 = tpu.memref_slice %arg3[%select_n3A_30, %dma_start3A_180, %dma_start3A_181] : memref<4x183x256xf32, #tpu.memory_space<hbm>> -> memref<1x183x256xf32, #tpu.memory_space<hbm>>
      %dma_start3A_183 = tpu.memref_squeeze %dma_start3A_182 : memref<1x183x256xf32, #tpu.memory_space<hbm>> -> memref<183x256xf32, #tpu.memory_space<hbm>>
      tpu.enqueue_dma source(%dma_start3A_183 : memref<183x256xf32, #tpu.memory_space<hbm>>) target(%arg13 : memref<183x256xf32, #tpu.memory_space<vmem>>) target_semaphore(%run_scoped3A : memref<!tpu.dma_semaphore, #tpu.memory_space<semaphore_mem>>)
      %dma_wait3A_184 = arith.constant 0 : i32
      %dma_wait3A_185 = arith.constant 0 : i32
      %dma_wait3A_186 = tpu.memref_slice %arg3[%select_n3A_30, %dma_wait3A_184, %dma_wait3A_185] : memref<4x183x256xf32, #tpu.memory_space<hbm>> -> memref<1x183x256xf32, #tpu.memory_space<hbm>>
      %dma_wait3A_187 = tpu.memref_squeeze %dma_wait3A_186 : memref<1x183x256xf32, #tpu.memory_space<hbm>> -> memref<183x256xf32, #tpu.memory_space<hbm>>
      %dma_wait3A_188 = arith.constant 0 : i32
      %dma_wait3A_189 = arith.constant 0 : i32
      %dma_wait3A_190 = tpu.memref_slice %arg3[%select_n3A_30, %dma_wait3A_188, %dma_wait3A_189] : memref<4x183x256xf32, #tpu.memory_space<hbm>> -> memref<1x183x256xf32, #tpu.memory_space<hbm>>
      %dma_wait3A_191 = tpu.memref_squeeze %dma_wait3A_190 : memref<1x183x256xf32, #tpu.memory_space<hbm>> -> memref<183x256xf32, #tpu.memory_space<hbm>>
      tpu.wait_dma2 semaphore(%run_scoped3A : memref<!tpu.dma_semaphore, #tpu.memory_space<semaphore_mem>>) src(%dma_wait3A_191 : memref<183x256xf32, #tpu.memory_space<hbm>>) dst(%arg13 : memref<183x256xf32, #tpu.memory_space<vmem>>)
      tpu.yield
    }) : () -> ()
    "tpu.region"() ({
      %run_scoped3A = tpu.sem_alloc : memref<!tpu.dma_semaphore, #tpu.memory_space<semaphore_mem>>
      %dma_start3A = arith.constant 0 : i32
      %dma_start3A_177 = arith.constant 0 : i32
      %dma_start3A_178 = tpu.memref_slice %arg4[%select_n3A_30, %dma_start3A, %dma_start3A_177] : memref<4x2x256xf32, #tpu.memory_space<hbm>> -> memref<1x2x256xf32, #tpu.memory_space<hbm>>
      %dma_start3A_179 = tpu.memref_squeeze %dma_start3A_178 : memref<1x2x256xf32, #tpu.memory_space<hbm>> -> memref<2x256xf32, #tpu.memory_space<hbm>>
      %dma_start3A_180 = arith.constant 0 : i32
      %dma_start3A_181 = arith.constant 0 : i32
      %dma_start3A_182 = tpu.memref_slice %arg4[%select_n3A_30, %dma_start3A_180, %dma_start3A_181] : memref<4x2x256xf32, #tpu.memory_space<hbm>> -> memref<1x2x256xf32, #tpu.memory_space<hbm>>
      %dma_start3A_183 = tpu.memref_squeeze %dma_start3A_182 : memref<1x2x256xf32, #tpu.memory_space<hbm>> -> memref<2x256xf32, #tpu.memory_space<hbm>>
      tpu.enqueue_dma source(%dma_start3A_183 : memref<2x256xf32, #tpu.memory_space<hbm>>) target(%arg14 : memref<2x256xf32, #tpu.memory_space<vmem>>) target_semaphore(%run_scoped3A : memref<!tpu.dma_semaphore, #tpu.memory_space<semaphore_mem>>)
      %dma_wait3A_184 = arith.constant 0 : i32
      %dma_wait3A_185 = arith.constant 0 : i32
      %dma_wait3A_186 = tpu.memref_slice %arg4[%select_n3A_30, %dma_wait3A_184, %dma_wait3A_185] : memref<4x2x256xf32, #tpu.memory_space<hbm>> -> memref<1x2x256xf32, #tpu.memory_space<hbm>>
      %dma_wait3A_187 = tpu.memref_squeeze %dma_wait3A_186 : memref<1x2x256xf32, #tpu.memory_space<hbm>> -> memref<2x256xf32, #tpu.memory_space<hbm>>
      %dma_wait3A_188 = arith.constant 0 : i32
      %dma_wait3A_189 = arith.constant 0 : i32
      %dma_wait3A_190 = tpu.memref_slice %arg4[%select_n3A_30, %dma_wait3A_188, %dma_wait3A_189] : memref<4x2x256xf32, #tpu.memory_space<hbm>> -> memref<1x2x256xf32, #tpu.memory_space<hbm>>
      %dma_wait3A_191 = tpu.memref_squeeze %dma_wait3A_190 : memref<1x2x256xf32, #tpu.memory_space<hbm>> -> memref<2x256xf32, #tpu.memory_space<hbm>>
      tpu.wait_dma2 semaphore(%run_scoped3A : memref<!tpu.dma_semaphore, #tpu.memory_space<semaphore_mem>>) src(%dma_wait3A_191 : memref<2x256xf32, #tpu.memory_space<hbm>>) dst(%arg14 : memref<2x256xf32, #tpu.memory_space<vmem>>)
      tpu.yield
    }) : () -> ()
    %iota3A = tpu.iota {dimensions = array<i32: 0>} : vector<16xi32>
    %get3A = arith.constant 0 : i32
    %get3A_33 = arith.index_cast %get3A : i32 to index
    %get3A_34 = arith.constant 0 : index
    %get3A_35 = tpu.vector_load %arg14[%get3A_33, %get3A_34] {strides = array<i32>} : memref<2x256xf32, #tpu.memory_space<vmem>>, vector<16xf32>,
    %get3A_36 = arith.constant 0 : i32
    %get3A_37 = arith.index_cast %get3A_36 : i32 to index
    %get3A_38 = arith.constant 16 : index
    %get3A_39 = tpu.vector_load %arg14[%get3A_37, %get3A_38] {strides = array<i32>} : memref<2x256xf32, #tpu.memory_space<vmem>>, vector<16xf32>,
    %get3A_40 = arith.constant 0 : i32
    %get3A_41 = arith.index_cast %get3A_40 : i32 to index
    %get3A_42 = arith.constant 32 : index
    %get3A_43 = tpu.vector_load %arg14[%get3A_41, %get3A_42] {strides = array<i32>} : memref<2x256xf32, #tpu.memory_space<vmem>>, vector<16xf32>,
    %get3A_44 = arith.constant 0 : i32
    %get3A_45 = arith.index_cast %get3A_44 : i32 to index
    %get3A_46 = arith.constant 48 : index
    %get3A_47 = tpu.vector_load %arg14[%get3A_45, %get3A_46] {strides = array<i32>} : memref<2x256xf32, #tpu.memory_space<vmem>>, vector<16xf32>,
    %get3A_48 = arith.constant 0 : i32
    %get3A_49 = arith.index_cast %get3A_48 : i32 to index
    %get3A_50 = arith.constant 64 : index
    %get3A_51 = tpu.vector_load %arg14[%get3A_49, %get3A_50] {strides = array<i32>} : memref<2x256xf32, #tpu.memory_space<vmem>>, vector<16xf32>,
    %get3A_52 = arith.constant 0 : i32
    %get3A_53 = arith.index_cast %get3A_52 : i32 to index
    %get3A_54 = arith.constant 80 : index
    %get3A_55 = tpu.vector_load %arg14[%get3A_53, %get3A_54] {strides = array<i32>} : memref<2x256xf32, #tpu.memory_space<vmem>>, vector<16xf32>,
    %get3A_56 = arith.constant 0 : i32
    %get3A_57 = arith.index_cast %get3A_56 : i32 to index
    %get3A_58 = arith.constant 96 : index
    %get3A_59 = tpu.vector_load %arg14[%get3A_57, %get3A_58] {strides = array<i32>} : memref<2x256xf32, #tpu.memory_space<vmem>>, vector<16xf32>,
    %get3A_60 = arith.constant 0 : i32
    %get3A_61 = arith.index_cast %get3A_60 : i32 to index
    %get3A_62 = arith.constant 112 : index
    %get3A_63 = tpu.vector_load %arg14[%get3A_61, %get3A_62] {strides = array<i32>} : memref<2x256xf32, #tpu.memory_space<vmem>>, vector<16xf32>,
    %get3A_64 = arith.constant 0 : i32
    %get3A_65 = arith.index_cast %get3A_64 : i32 to index
    %get3A_66 = arith.constant 128 : index
    %get3A_67 = tpu.vector_load %arg14[%get3A_65, %get3A_66] {strides = array<i32>} : memref<2x256xf32, #tpu.memory_space<vmem>>, vector<16xf32>,
    %get3A_68 = arith.constant 0 : i32
    %get3A_69 = arith.index_cast %get3A_68 : i32 to index
    %get3A_70 = arith.constant 144 : index
    %get3A_71 = tpu.vector_load %arg14[%get3A_69, %get3A_70] {strides = array<i32>} : memref<2x256xf32, #tpu.memory_space<vmem>>, vector<16xf32>,
    %get3A_72 = arith.constant 0 : i32
    %get3A_73 = arith.index_cast %get3A_72 : i32 to index
    %get3A_74 = arith.constant 160 : index
    %get3A_75 = tpu.vector_load %arg14[%get3A_73, %get3A_74] {strides = array<i32>} : memref<2x256xf32, #tpu.memory_space<vmem>>, vector<16xf32>,
    %get3A_76 = arith.constant 0 : i32
    %get3A_77 = arith.index_cast %get3A_76 : i32 to index
    %get3A_78 = arith.constant 176 : index
    %get3A_79 = tpu.vector_load %arg14[%get3A_77, %get3A_78] {strides = array<i32>} : memref<2x256xf32, #tpu.memory_space<vmem>>, vector<16xf32>,
    %get3A_80 = arith.constant 0 : i32
    %get3A_81 = arith.index_cast %get3A_80 : i32 to index
    %get3A_82 = arith.constant 192 : index
    %get3A_83 = tpu.vector_load %arg14[%get3A_81, %get3A_82] {strides = array<i32>} : memref<2x256xf32, #tpu.memory_space<vmem>>, vector<16xf32>,
    %get3A_84 = arith.constant 0 : i32
    %get3A_85 = arith.index_cast %get3A_84 : i32 to index
    %get3A_86 = arith.constant 208 : index
    %get3A_87 = tpu.vector_load %arg14[%get3A_85, %get3A_86] {strides = array<i32>} : memref<2x256xf32, #tpu.memory_space<vmem>>, vector<16xf32>,
    %get3A_88 = arith.constant 0 : i32
    %get3A_89 = arith.index_cast %get3A_88 : i32 to index
    %get3A_90 = arith.constant 224 : index
    %get3A_91 = tpu.vector_load %arg14[%get3A_89, %get3A_90] {strides = array<i32>} : memref<2x256xf32, #tpu.memory_space<vmem>>, vector<16xf32>,
    %get3A_92 = arith.constant 0 : i32
    %get3A_93 = arith.index_cast %get3A_92 : i32 to index
    %get3A_94 = arith.constant 240 : index
    %get3A_95 = tpu.vector_load %arg14[%get3A_93, %get3A_94] {strides = array<i32>} : memref<2x256xf32, #tpu.memory_space<vmem>>, vector<16xf32>,
    %get3A_96 = arith.constant 1 : i32
    %get3A_97 = arith.index_cast %get3A_96 : i32 to index
    %get3A_98 = arith.constant 0 : index
    %get3A_99 = tpu.vector_load %arg14[%get3A_97, %get3A_98] {strides = array<i32>} : memref<2x256xf32, #tpu.memory_space<vmem>>, vector<16xf32>,
    %get3A_100 = arith.constant 1 : i32
    %get3A_101 = arith.index_cast %get3A_100 : i32 to index
    %get3A_102 = arith.constant 16 : index
    %get3A_103 = tpu.vector_load %arg14[%get3A_101, %get3A_102] {strides = array<i32>} : memref<2x256xf32, #tpu.memory_space<vmem>>, vector<16xf32>,
    %get3A_104 = arith.constant 1 : i32
    %get3A_105 = arith.index_cast %get3A_104 : i32 to index
    %get3A_106 = arith.constant 32 : index
    %get3A_107 = tpu.vector_load %arg14[%get3A_105, %get3A_106] {strides = array<i32>} : memref<2x256xf32, #tpu.memory_space<vmem>>, vector<16xf32>,
    %get3A_108 = arith.constant 1 : i32
    %get3A_109 = arith.index_cast %get3A_108 : i32 to index
    %get3A_110 = arith.constant 48 : index
    %get3A_111 = tpu.vector_load %arg14[%get3A_109, %get3A_110] {strides = array<i32>} : memref<2x256xf32, #tpu.memory_space<vmem>>, vector<16xf32>,
    %get3A_112 = arith.constant 1 : i32
    %get3A_113 = arith.index_cast %get3A_112 : i32 to index
    %get3A_114 = arith.constant 64 : index
    %get3A_115 = tpu.vector_load %arg14[%get3A_113, %get3A_114] {strides = array<i32>} : memref<2x256xf32, #tpu.memory_space<vmem>>, vector<16xf32>,
    %get3A_116 = arith.constant 1 : i32
    %get3A_117 = arith.index_cast %get3A_116 : i32 to index
    %get3A_118 = arith.constant 80 : index
    %get3A_119 = tpu.vector_load %arg14[%get3A_117, %get3A_118] {strides = array<i32>} : memref<2x256xf32, #tpu.memory_space<vmem>>, vector<16xf32>,
    %get3A_120 = arith.constant 1 : i32
    %get3A_121 = arith.index_cast %get3A_120 : i32 to index
    %get3A_122 = arith.constant 96 : index
    %get3A_123 = tpu.vector_load %arg14[%get3A_121, %get3A_122] {strides = array<i32>} : memref<2x256xf32, #tpu.memory_space<vmem>>, vector<16xf32>,
    %get3A_124 = arith.constant 1 : i32
    %get3A_125 = arith.index_cast %get3A_124 : i32 to index
    %get3A_126 = arith.constant 112 : index
    %get3A_127 = tpu.vector_load %arg14[%get3A_125, %get3A_126] {strides = array<i32>} : memref<2x256xf32, #tpu.memory_space<vmem>>, vector<16xf32>,
    %get3A_128 = arith.constant 1 : i32
    %get3A_129 = arith.index_cast %get3A_128 : i32 to index
    %get3A_130 = arith.constant 128 : index
    %get3A_131 = tpu.vector_load %arg14[%get3A_129, %get3A_130] {strides = array<i32>} : memref<2x256xf32, #tpu.memory_space<vmem>>, vector<16xf32>,
    %get3A_132 = arith.constant 1 : i32
    %get3A_133 = arith.index_cast %get3A_132 : i32 to index
    %get3A_134 = arith.constant 144 : index
    %get3A_135 = tpu.vector_load %arg14[%get3A_133, %get3A_134] {strides = array<i32>} : memref<2x256xf32, #tpu.memory_space<vmem>>, vector<16xf32>,
    %get3A_136 = arith.constant 1 : i32
    %get3A_137 = arith.index_cast %get3A_136 : i32 to index
    %get3A_138 = arith.constant 160 : index
    %get3A_139 = tpu.vector_load %arg14[%get3A_137, %get3A_138] {strides = array<i32>} : memref<2x256xf32, #tpu.memory_space<vmem>>, vector<16xf32>,
    %get3A_140 = arith.constant 1 : i32
    %get3A_141 = arith.index_cast %get3A_140 : i32 to index
    %get3A_142 = arith.constant 176 : index
    %get3A_143 = tpu.vector_load %arg14[%get3A_141, %get3A_142] {strides = array<i32>} : memref<2x256xf32, #tpu.memory_space<vmem>>, vector<16xf32>,
    %get3A_144 = arith.constant 1 : i32
    %get3A_145 = arith.index_cast %get3A_144 : i32 to index
    %get3A_146 = arith.constant 192 : index
    %get3A_147 = tpu.vector_load %arg14[%get3A_145, %get3A_146] {strides = array<i32>} : memref<2x256xf32, #tpu.memory_space<vmem>>, vector<16xf32>,
    %get3A_148 = arith.constant 1 : i32
    %get3A_149 = arith.index_cast %get3A_148 : i32 to index
    %get3A_150 = arith.constant 208 : index
    %get3A_151 = tpu.vector_load %arg14[%get3A_149, %get3A_150] {strides = array<i32>} : memref<2x256xf32, #tpu.memory_space<vmem>>, vector<16xf32>,
    %get3A_152 = arith.constant 1 : i32
    %get3A_153 = arith.index_cast %get3A_152 : i32 to index
    %get3A_154 = arith.constant 224 : index
    %get3A_155 = tpu.vector_load %arg14[%get3A_153, %get3A_154] {strides = array<i32>} : memref<2x256xf32, #tpu.memory_space<vmem>>, vector<16xf32>,
    %get3A_156 = arith.constant 1 : i32
    %get3A_157 = arith.index_cast %get3A_156 : i32 to index
    %get3A_158 = arith.constant 240 : index
    %get3A_159 = tpu.vector_load %arg14[%get3A_157, %get3A_158] {strides = array<i32>} : memref<2x256xf32, #tpu.memory_space<vmem>>, vector<16xf32>,
    %scan3A = arith.constant 0 : i32
    %scan3A_160 = arith.constant 0 : i32
    %scan3A_161 = arith.constant 16 : i32
    %scan3A_162 = arith.addi %scan3A_160, %scan3A_161 : i32
    %scan3A_163 = arith.constant 1 : i32
    %scan3A_164 = scf.for %scan3A_177 = %scan3A_160 to %scan3A_162 step %scan3A_163 iter_args(%scan3A_178 = %scan3A) -> (i32)  : i32 {
      %mul3A_179 = arith.constant 2 : i32
      %mul3A_180 = arith.muli %scan3A_177, %mul3A_179 : i32
      %add3A_181 = arith.constant 0 : i32
      %add3A_182 = arith.addi %mul3A_180, %add3A_181 : i32
      %gt3A = arith.constant 0 : i32
      %gt3A_183 = arith.cmpi sgt, %scan3A_177, %gt3A : i32
      %convert_element_type3A = arith.extui %gt3A_183 : i1 to i32
      %cond3A = arith.constant 0 : i32
      %cond3A_184 = arith.cmpi ne, %convert_element_type3A, %cond3A : i32
      scf.if %cond3A_184 {
        %mul3A_222 = arith.constant 32 : i32
        %mul3A_223 = arith.muli %add3A_182, %mul3A_222 : i32
        %add3A_224 = arith.addi %mul3A_32, %mul3A_223 : i32
        %mul3A_225 = arith.constant 256 : i32
        %mul3A_226 = arith.muli %select_n3A_30, %mul3A_225 : i32
        %dma_wait3A_227 = tpu.memref_slice %arg8[%add3A_224, %mul3A_226] : memref<8192x1024xf32, #tpu.memory_space<hbm>> -> memref<32x256xf32, #tpu.memory_space<hbm>>
        %dma_wait3A_228 = tpu.memref_slice %arg8[%add3A_224, %mul3A_226] : memref<8192x1024xf32, #tpu.memory_space<hbm>> -> memref<32x256xf32, #tpu.memory_space<hbm>>
        tpu.wait_dma2 semaphore(%arg17 : memref<!tpu.dma_semaphore, #tpu.memory_space<semaphore_mem>>) src(%arg15 : memref<32x256xf32, #tpu.memory_space<vmem>>) dst(%dma_wait3A_228 : memref<32x256xf32, #tpu.memory_space<hbm>>)
      } else {
      }
      %scan3A_185 = arith.constant 0 : i32
      %scan3A_186 = arith.constant 0 : i32
      %scan3A_187 = arith.constant 2 : i32
      %scan3A_188 = arith.addi %scan3A_186, %scan3A_187 : i32
      %scan3A_189 = arith.constant 1 : i32
      %scan3A_190 = scf.for %scan3A_222 = %scan3A_186 to %scan3A_188 step %scan3A_189 iter_args(%scan3A_223 = %scan3A_185) -> (i32)  : i32 {
        %mul3A_224 = arith.constant 32 : i32
        %mul3A_225 = arith.muli %add3A_182, %mul3A_224 : i32
        %mul3A_226 = arith.constant 16 : i32
        %mul3A_227 = arith.muli %scan3A_222, %mul3A_226 : i32
        %add3A_228 = arith.addi %mul3A_225, %mul3A_227 : i32
        %get3A_229 = arith.index_cast %add3A_228 : i32 to index
        %get3A_230 = tpu.vector_load %arg9[%get3A_229] {strides = array<i32>} : memref<1024xi32, #tpu.memory_space<vmem>>, vector<16xi32>,
        %get3A_231 = arith.index_cast %add3A_228 : i32 to index
        %get3A_232 = tpu.vector_load %arg10[%get3A_231] {strides = array<i32>} : memref<1024xi32, #tpu.memory_space<vmem>>, vector<16xi32>,
        %get3A_233 = arith.index_cast %add3A_228 : i32 to index
        %get3A_234 = tpu.vector_load %arg11[%get3A_233] {strides = array<i32>} : memref<1024xi32, #tpu.memory_space<vmem>>, vector<16xi32>,
        %scan3A_235 = arith.constant 0 : i32
        %scan3A_236 = arith.constant 0 : i32
        %scan3A_237 = arith.constant 16 : i32
        %scan3A_238 = arith.addi %scan3A_236, %scan3A_237 : i32
        %scan3A_239 = arith.constant 1 : i32
        %scan3A_240 = scf.for %scan3A_243 = %scan3A_236 to %scan3A_238 step %scan3A_239 iter_args(%scan3A_244 = %scan3A_235) -> (i32)  : i32 {
          %broadcast_in_dim3A = vector.broadcast %scan3A_243 : i32 to vector<16xi32>
          %lt3A_245 = arith.constant 0 : i32
          %lt3A_246 = vector.broadcast %lt3A_245 : i32 to vector<16xi32>
          %lt3A_247 = arith.cmpi slt, %broadcast_in_dim3A, %lt3A_246 : vector<16xi32>
          %add3A_248 = arith.constant 16 : i32
          %add3A_249 = vector.broadcast %add3A_248 : i32 to vector<16xi32>
          %add3A_250 = arith.addi %broadcast_in_dim3A, %add3A_249 : vector<16xi32>
          %select_n3A_251 = arith.select %lt3A_247, %add3A_250, %broadcast_in_dim3A : vector<16xi1>, vector<16xi32>
          %broadcast_in_dim3A_252 = vector.shape_cast %select_n3A_251 : vector<16xi32> to vector<16x1xi32>
          %gather3A = vector.shape_cast %broadcast_in_dim3A_252 : vector<16x1xi32> to vector<16xi32>
          %gather3A_253 = tpu.dynamic_gather %get3A_230[%gather3A] in [0] : vector<16xi32>, vector<16xi32> -> vector<16xi32>
          %lt3A_254 = arith.constant 0 : i32
          %lt3A_255 = vector.broadcast %lt3A_254 : i32 to vector<16xi32>
          %lt3A_256 = arith.cmpi slt, %broadcast_in_dim3A, %lt3A_255 : vector<16xi32>
          %add3A_257 = arith.constant 16 : i32
          %add3A_258 = vector.broadcast %add3A_257 : i32 to vector<16xi32>
          %add3A_259 = arith.addi %broadcast_in_dim3A, %add3A_258 : vector<16xi32>
          %select_n3A_260 = arith.select %lt3A_256, %add3A_259, %broadcast_in_dim3A : vector<16xi1>, vector<16xi32>
          %broadcast_in_dim3A_261 = vector.shape_cast %select_n3A_260 : vector<16xi32> to vector<16x1xi32>
          %gather3A_262 = vector.shape_cast %broadcast_in_dim3A_261 : vector<16x1xi32> to vector<16xi32>
          %gather3A_263 = tpu.dynamic_gather %get3A_232[%gather3A_262] in [0] : vector<16xi32>, vector<16xi32> -> vector<16xi32>
          %lt3A_264 = arith.constant 0 : i32
          %lt3A_265 = vector.broadcast %lt3A_264 : i32 to vector<16xi32>
          %lt3A_266 = arith.cmpi slt, %broadcast_in_dim3A, %lt3A_265 : vector<16xi32>
          %add3A_267 = arith.constant 16 : i32
          %add3A_268 = vector.broadcast %add3A_267 : i32 to vector<16xi32>
          %add3A_269 = arith.addi %broadcast_in_dim3A, %add3A_268 : vector<16xi32>
          %select_n3A_270 = arith.select %lt3A_266, %add3A_269, %broadcast_in_dim3A : vector<16xi1>, vector<16xi32>
          %broadcast_in_dim3A_271 = vector.shape_cast %select_n3A_270 : vector<16xi32> to vector<16x1xi32>
          %gather3A_272 = vector.shape_cast %broadcast_in_dim3A_271 : vector<16x1xi32> to vector<16xi32>
          %gather3A_273 = tpu.dynamic_gather %get3A_234[%gather3A_272] in [0] : vector<16xi32>, vector<16xi32> -> vector<16xi32>
          %eq3A_274 = arith.constant 0 : i32
          %eq3A_275 = vector.broadcast %eq3A_274 : i32 to vector<16xi32>
          %eq3A_276 = arith.cmpi eq, %gather3A_273, %eq3A_275 : vector<16xi32>
          %mul3A_277 = arith.constant 16 : i32
          %mul3A_278 = arith.muli %scan3A_222, %mul3A_277 : i32
          %add3A_279 = arith.addi %mul3A_278, %scan3A_243 : i32
          %add3A_280 = arith.constant 0 : i32
          %add3A_281 = vector.broadcast %add3A_280 : i32 to vector<16xi32>
          %add3A_282 = arith.addi %add3A_281, %iota3A : vector<16xi32>
          %gather3A_283 = tpu.vector_load_idx %arg12[%gather3A_253, %add3A_282] : memref<183x256xf32, #tpu.memory_space<vmem>>[vector<16xi32>, vector<16xi32>], vector<16xf32>,
          %gather3A_284 = tpu.vector_load_idx %arg13[%gather3A_263, %add3A_282] : memref<183x256xf32, #tpu.memory_space<vmem>>[vector<16xi32>, vector<16xi32>], vector<16xf32>,
          %select_n3A_285 = arith.select %eq3A_276, %get3A_35, %get3A_99 : vector<16xi1>, vector<16xf32>
          %add3A_286 = arith.addf %gather3A_283, %gather3A_284 : vector<16xf32>
          %add3A_287 = arith.addf %add3A_286, %select_n3A_285 : vector<16xf32>
          %add3A_288 = arith.constant 16 : i32
          %add3A_289 = vector.broadcast %add3A_288 : i32 to vector<16xi32>
          %add3A_290 = arith.addi %add3A_289, %iota3A : vector<16xi32>
          %gather3A_291 = tpu.vector_load_idx %arg12[%gather3A_253, %add3A_290] : memref<183x256xf32, #tpu.memory_space<vmem>>[vector<16xi32>, vector<16xi32>], vector<16xf32>,
          %gather3A_292 = tpu.vector_load_idx %arg13[%gather3A_263, %add3A_290] : memref<183x256xf32, #tpu.memory_space<vmem>>[vector<16xi32>, vector<16xi32>], vector<16xf32>,
          %select_n3A_293 = arith.select %eq3A_276, %get3A_39, %get3A_103 : vector<16xi1>, vector<16xf32>
          %add3A_294 = arith.addf %gather3A_291, %gather3A_292 : vector<16xf32>
          %add3A_295 = arith.addf %add3A_294, %select_n3A_293 : vector<16xf32>
          %add3A_296 = arith.constant 32 : i32
          %add3A_297 = vector.broadcast %add3A_296 : i32 to vector<16xi32>
          %add3A_298 = arith.addi %add3A_297, %iota3A : vector<16xi32>
          %gather3A_299 = tpu.vector_load_idx %arg12[%gather3A_253, %add3A_298] : memref<183x256xf32, #tpu.memory_space<vmem>>[vector<16xi32>, vector<16xi32>], vector<16xf32>,
          %gather3A_300 = tpu.vector_load_idx %arg13[%gather3A_263, %add3A_298] : memref<183x256xf32, #tpu.memory_space<vmem>>[vector<16xi32>, vector<16xi32>], vector<16xf32>,
          %select_n3A_301 = arith.select %eq3A_276, %get3A_43, %get3A_107 : vector<16xi1>, vector<16xf32>
          %add3A_302 = arith.addf %gather3A_299, %gather3A_300 : vector<16xf32>
          %add3A_303 = arith.addf %add3A_302, %select_n3A_301 : vector<16xf32>
          %add3A_304 = arith.constant 48 : i32
          %add3A_305 = vector.broadcast %add3A_304 : i32 to vector<16xi32>
          %add3A_306 = arith.addi %add3A_305, %iota3A : vector<16xi32>
          %gather3A_307 = tpu.vector_load_idx %arg12[%gather3A_253, %add3A_306] : memref<183x256xf32, #tpu.memory_space<vmem>>[vector<16xi32>, vector<16xi32>], vector<16xf32>,
          %gather3A_308 = tpu.vector_load_idx %arg13[%gather3A_263, %add3A_306] : memref<183x256xf32, #tpu.memory_space<vmem>>[vector<16xi32>, vector<16xi32>], vector<16xf32>,
          %select_n3A_309 = arith.select %eq3A_276, %get3A_47, %get3A_111 : vector<16xi1>, vector<16xf32>
          %add3A_310 = arith.addf %gather3A_307, %gather3A_308 : vector<16xf32>
          %add3A_311 = arith.addf %add3A_310, %select_n3A_309 : vector<16xf32>
          %add3A_312 = arith.constant 64 : i32
          %add3A_313 = vector.broadcast %add3A_312 : i32 to vector<16xi32>
          %add3A_314 = arith.addi %add3A_313, %iota3A : vector<16xi32>
          %gather3A_315 = tpu.vector_load_idx %arg12[%gather3A_253, %add3A_314] : memref<183x256xf32, #tpu.memory_space<vmem>>[vector<16xi32>, vector<16xi32>], vector<16xf32>,
          %gather3A_316 = tpu.vector_load_idx %arg13[%gather3A_263, %add3A_314] : memref<183x256xf32, #tpu.memory_space<vmem>>[vector<16xi32>, vector<16xi32>], vector<16xf32>,
          %select_n3A_317 = arith.select %eq3A_276, %get3A_51, %get3A_115 : vector<16xi1>, vector<16xf32>
          %add3A_318 = arith.addf %gather3A_315, %gather3A_316 : vector<16xf32>
          %add3A_319 = arith.addf %add3A_318, %select_n3A_317 : vector<16xf32>
          %add3A_320 = arith.constant 80 : i32
          %add3A_321 = vector.broadcast %add3A_320 : i32 to vector<16xi32>
          %add3A_322 = arith.addi %add3A_321, %iota3A : vector<16xi32>
          %gather3A_323 = tpu.vector_load_idx %arg12[%gather3A_253, %add3A_322] : memref<183x256xf32, #tpu.memory_space<vmem>>[vector<16xi32>, vector<16xi32>], vector<16xf32>,
          %gather3A_324 = tpu.vector_load_idx %arg13[%gather3A_263, %add3A_322] : memref<183x256xf32, #tpu.memory_space<vmem>>[vector<16xi32>, vector<16xi32>], vector<16xf32>,
          %select_n3A_325 = arith.select %eq3A_276, %get3A_55, %get3A_119 : vector<16xi1>, vector<16xf32>
          %add3A_326 = arith.addf %gather3A_323, %gather3A_324 : vector<16xf32>
          %add3A_327 = arith.addf %add3A_326, %select_n3A_325 : vector<16xf32>
          %add3A_328 = arith.constant 96 : i32
          %add3A_329 = vector.broadcast %add3A_328 : i32 to vector<16xi32>
          %add3A_330 = arith.addi %add3A_329, %iota3A : vector<16xi32>
          %gather3A_331 = tpu.vector_load_idx %arg12[%gather3A_253, %add3A_330] : memref<183x256xf32, #tpu.memory_space<vmem>>[vector<16xi32>, vector<16xi32>], vector<16xf32>,
          %gather3A_332 = tpu.vector_load_idx %arg13[%gather3A_263, %add3A_330] : memref<183x256xf32, #tpu.memory_space<vmem>>[vector<16xi32>, vector<16xi32>], vector<16xf32>,
          %select_n3A_333 = arith.select %eq3A_276, %get3A_59, %get3A_123 : vector<16xi1>, vector<16xf32>
          %add3A_334 = arith.addf %gather3A_331, %gather3A_332 : vector<16xf32>
          %add3A_335 = arith.addf %add3A_334, %select_n3A_333 : vector<16xf32>
          %add3A_336 = arith.constant 112 : i32
          %add3A_337 = vector.broadcast %add3A_336 : i32 to vector<16xi32>
          %add3A_338 = arith.addi %add3A_337, %iota3A : vector<16xi32>
          %gather3A_339 = tpu.vector_load_idx %arg12[%gather3A_253, %add3A_338] : memref<183x256xf32, #tpu.memory_space<vmem>>[vector<16xi32>, vector<16xi32>], vector<16xf32>,
          %gather3A_340 = tpu.vector_load_idx %arg13[%gather3A_263, %add3A_338] : memref<183x256xf32, #tpu.memory_space<vmem>>[vector<16xi32>, vector<16xi32>], vector<16xf32>,
          %select_n3A_341 = arith.select %eq3A_276, %get3A_63, %get3A_127 : vector<16xi1>, vector<16xf32>
          %add3A_342 = arith.addf %gather3A_339, %gather3A_340 : vector<16xf32>
          %add3A_343 = arith.addf %add3A_342, %select_n3A_341 : vector<16xf32>
          %swap3A = arith.index_cast %add3A_279 : i32 to index
          %swap3A_344 = arith.constant 0 : index
          %swap3A_345 = tpu.vector_load %arg15[%swap3A, %swap3A_344] {strides = array<i32>} : memref<32x256xf32, #tpu.memory_space<vmem>>, vector<16xf32>,
          tpu.vector_store %arg15[%swap3A, %swap3A_344], %add3A_287 {strides = array<i32>} : memref<32x256xf32, #tpu.memory_space<vmem>>, vector<16xf32>,
          %swap3A_346 = arith.index_cast %add3A_279 : i32 to index
          %swap3A_347 = arith.constant 16 : index
          %swap3A_348 = tpu.vector_load %arg15[%swap3A_346, %swap3A_347] {strides = array<i32>} : memref<32x256xf32, #tpu.memory_space<vmem>>, vector<16xf32>,
          tpu.vector_store %arg15[%swap3A_346, %swap3A_347], %add3A_295 {strides = array<i32>} : memref<32x256xf32, #tpu.memory_space<vmem>>, vector<16xf32>,
          %swap3A_349 = arith.index_cast %add3A_279 : i32 to index
          %swap3A_350 = arith.constant 32 : index
          %swap3A_351 = tpu.vector_load %arg15[%swap3A_349, %swap3A_350] {strides = array<i32>} : memref<32x256xf32, #tpu.memory_space<vmem>>, vector<16xf32>,
          tpu.vector_store %arg15[%swap3A_349, %swap3A_350], %add3A_303 {strides = array<i32>} : memref<32x256xf32, #tpu.memory_space<vmem>>, vector<16xf32>,
          %swap3A_352 = arith.index_cast %add3A_279 : i32 to index
          %swap3A_353 = arith.constant 48 : index
          %swap3A_354 = tpu.vector_load %arg15[%swap3A_352, %swap3A_353] {strides = array<i32>} : memref<32x256xf32, #tpu.memory_space<vmem>>, vector<16xf32>,
          tpu.vector_store %arg15[%swap3A_352, %swap3A_353], %add3A_311 {strides = array<i32>} : memref<32x256xf32, #tpu.memory_space<vmem>>, vector<16xf32>,
          %swap3A_355 = arith.index_cast %add3A_279 : i32 to index
          %swap3A_356 = arith.constant 64 : index
          %swap3A_357 = tpu.vector_load %arg15[%swap3A_355, %swap3A_356] {strides = array<i32>} : memref<32x256xf32, #tpu.memory_space<vmem>>, vector<16xf32>,
          tpu.vector_store %arg15[%swap3A_355, %swap3A_356], %add3A_319 {strides = array<i32>} : memref<32x256xf32, #tpu.memory_space<vmem>>, vector<16xf32>,
          %swap3A_358 = arith.index_cast %add3A_279 : i32 to index
          %swap3A_359 = arith.constant 80 : index
          %swap3A_360 = tpu.vector_load %arg15[%swap3A_358, %swap3A_359] {strides = array<i32>} : memref<32x256xf32, #tpu.memory_space<vmem>>, vector<16xf32>,
          tpu.vector_store %arg15[%swap3A_358, %swap3A_359], %add3A_327 {strides = array<i32>} : memref<32x256xf32, #tpu.memory_space<vmem>>, vector<16xf32>,
          %swap3A_361 = arith.index_cast %add3A_279 : i32 to index
          %swap3A_362 = arith.constant 96 : index
          %swap3A_363 = tpu.vector_load %arg15[%swap3A_361, %swap3A_362] {strides = array<i32>} : memref<32x256xf32, #tpu.memory_space<vmem>>, vector<16xf32>,
          tpu.vector_store %arg15[%swap3A_361, %swap3A_362], %add3A_335 {strides = array<i32>} : memref<32x256xf32, #tpu.memory_space<vmem>>, vector<16xf32>,
          %swap3A_364 = arith.index_cast %add3A_279 : i32 to index
          %swap3A_365 = arith.constant 112 : index
          %swap3A_366 = tpu.vector_load %arg15[%swap3A_364, %swap3A_365] {strides = array<i32>} : memref<32x256xf32, #tpu.memory_space<vmem>>, vector<16xf32>,
          tpu.vector_store %arg15[%swap3A_364, %swap3A_365], %add3A_343 {strides = array<i32>} : memref<32x256xf32, #tpu.memory_space<vmem>>, vector<16xf32>,
          %add3A_367 = arith.constant 128 : i32
          %add3A_368 = vector.broadcast %add3A_367 : i32 to vector<16xi32>
          %add3A_369 = arith.addi %add3A_368, %iota3A : vector<16xi32>
          %gather3A_370 = tpu.vector_load_idx %arg12[%gather3A_253, %add3A_369] : memref<183x256xf32, #tpu.memory_space<vmem>>[vector<16xi32>, vector<16xi32>], vector<16xf32>,
          %gather3A_371 = tpu.vector_load_idx %arg13[%gather3A_263, %add3A_369] : memref<183x256xf32, #tpu.memory_space<vmem>>[vector<16xi32>, vector<16xi32>], vector<16xf32>,
          %select_n3A_372 = arith.select %eq3A_276, %get3A_67, %get3A_131 : vector<16xi1>, vector<16xf32>
          %add3A_373 = arith.addf %gather3A_370, %gather3A_371 : vector<16xf32>
          %add3A_374 = arith.addf %add3A_373, %select_n3A_372 : vector<16xf32>
          %add3A_375 = arith.constant 144 : i32
          %add3A_376 = vector.broadcast %add3A_375 : i32 to vector<16xi32>
          %add3A_377 = arith.addi %add3A_376, %iota3A : vector<16xi32>
          %gather3A_378 = tpu.vector_load_idx %arg12[%gather3A_253, %add3A_377] : memref<183x256xf32, #tpu.memory_space<vmem>>[vector<16xi32>, vector<16xi32>], vector<16xf32>,
          %gather3A_379 = tpu.vector_load_idx %arg13[%gather3A_263, %add3A_377] : memref<183x256xf32, #tpu.memory_space<vmem>>[vector<16xi32>, vector<16xi32>], vector<16xf32>,
          %select_n3A_380 = arith.select %eq3A_276, %get3A_71, %get3A_135 : vector<16xi1>, vector<16xf32>
          %add3A_381 = arith.addf %gather3A_378, %gather3A_379 : vector<16xf32>
          %add3A_382 = arith.addf %add3A_381, %select_n3A_380 : vector<16xf32>
          %add3A_383 = arith.constant 160 : i32
          %add3A_384 = vector.broadcast %add3A_383 : i32 to vector<16xi32>
          %add3A_385 = arith.addi %add3A_384, %iota3A : vector<16xi32>
          %gather3A_386 = tpu.vector_load_idx %arg12[%gather3A_253, %add3A_385] : memref<183x256xf32, #tpu.memory_space<vmem>>[vector<16xi32>, vector<16xi32>], vector<16xf32>,
          %gather3A_387 = tpu.vector_load_idx %arg13[%gather3A_263, %add3A_385] : memref<183x256xf32, #tpu.memory_space<vmem>>[vector<16xi32>, vector<16xi32>], vector<16xf32>,
          %select_n3A_388 = arith.select %eq3A_276, %get3A_75, %get3A_139 : vector<16xi1>, vector<16xf32>
          %add3A_389 = arith.addf %gather3A_386, %gather3A_387 : vector<16xf32>
          %add3A_390 = arith.addf %add3A_389, %select_n3A_388 : vector<16xf32>
          %add3A_391 = arith.constant 176 : i32
          %add3A_392 = vector.broadcast %add3A_391 : i32 to vector<16xi32>
          %add3A_393 = arith.addi %add3A_392, %iota3A : vector<16xi32>
          %gather3A_394 = tpu.vector_load_idx %arg12[%gather3A_253, %add3A_393] : memref<183x256xf32, #tpu.memory_space<vmem>>[vector<16xi32>, vector<16xi32>], vector<16xf32>,
          %gather3A_395 = tpu.vector_load_idx %arg13[%gather3A_263, %add3A_393] : memref<183x256xf32, #tpu.memory_space<vmem>>[vector<16xi32>, vector<16xi32>], vector<16xf32>,
          %select_n3A_396 = arith.select %eq3A_276, %get3A_79, %get3A_143 : vector<16xi1>, vector<16xf32>
          %add3A_397 = arith.addf %gather3A_394, %gather3A_395 : vector<16xf32>
          %add3A_398 = arith.addf %add3A_397, %select_n3A_396 : vector<16xf32>
          %add3A_399 = arith.constant 192 : i32
          %add3A_400 = vector.broadcast %add3A_399 : i32 to vector<16xi32>
          %add3A_401 = arith.addi %add3A_400, %iota3A : vector<16xi32>
          %gather3A_402 = tpu.vector_load_idx %arg12[%gather3A_253, %add3A_401] : memref<183x256xf32, #tpu.memory_space<vmem>>[vector<16xi32>, vector<16xi32>], vector<16xf32>,
          %gather3A_403 = tpu.vector_load_idx %arg13[%gather3A_263, %add3A_401] : memref<183x256xf32, #tpu.memory_space<vmem>>[vector<16xi32>, vector<16xi32>], vector<16xf32>,
          %select_n3A_404 = arith.select %eq3A_276, %get3A_83, %get3A_147 : vector<16xi1>, vector<16xf32>
          %add3A_405 = arith.addf %gather3A_402, %gather3A_403 : vector<16xf32>
          %add3A_406 = arith.addf %add3A_405, %select_n3A_404 : vector<16xf32>
          %add3A_407 = arith.constant 208 : i32
          %add3A_408 = vector.broadcast %add3A_407 : i32 to vector<16xi32>
          %add3A_409 = arith.addi %add3A_408, %iota3A : vector<16xi32>
          %gather3A_410 = tpu.vector_load_idx %arg12[%gather3A_253, %add3A_409] : memref<183x256xf32, #tpu.memory_space<vmem>>[vector<16xi32>, vector<16xi32>], vector<16xf32>,
          %gather3A_411 = tpu.vector_load_idx %arg13[%gather3A_263, %add3A_409] : memref<183x256xf32, #tpu.memory_space<vmem>>[vector<16xi32>, vector<16xi32>], vector<16xf32>,
          %select_n3A_412 = arith.select %eq3A_276, %get3A_87, %get3A_151 : vector<16xi1>, vector<16xf32>
          %add3A_413 = arith.addf %gather3A_410, %gather3A_411 : vector<16xf32>
          %add3A_414 = arith.addf %add3A_413, %select_n3A_412 : vector<16xf32>
          %add3A_415 = arith.constant 224 : i32
          %add3A_416 = vector.broadcast %add3A_415 : i32 to vector<16xi32>
          %add3A_417 = arith.addi %add3A_416, %iota3A : vector<16xi32>
          %gather3A_418 = tpu.vector_load_idx %arg12[%gather3A_253, %add3A_417] : memref<183x256xf32, #tpu.memory_space<vmem>>[vector<16xi32>, vector<16xi32>], vector<16xf32>,
          %gather3A_419 = tpu.vector_load_idx %arg13[%gather3A_263, %add3A_417] : memref<183x256xf32, #tpu.memory_space<vmem>>[vector<16xi32>, vector<16xi32>], vector<16xf32>,
          %select_n3A_420 = arith.select %eq3A_276, %get3A_91, %get3A_155 : vector<16xi1>, vector<16xf32>
          %add3A_421 = arith.addf %gather3A_418, %gather3A_419 : vector<16xf32>
          %add3A_422 = arith.addf %add3A_421, %select_n3A_420 : vector<16xf32>
          %add3A_423 = arith.constant 240 : i32
          %add3A_424 = vector.broadcast %add3A_423 : i32 to vector<16xi32>
          %add3A_425 = arith.addi %add3A_424, %iota3A : vector<16xi32>
          %gather3A_426 = tpu.vector_load_idx %arg12[%gather3A_253, %add3A_425] : memref<183x256xf32, #tpu.memory_space<vmem>>[vector<16xi32>, vector<16xi32>], vector<16xf32>,
          %gather3A_427 = tpu.vector_load_idx %arg13[%gather3A_263, %add3A_425] : memref<183x256xf32, #tpu.memory_space<vmem>>[vector<16xi32>, vector<16xi32>], vector<16xf32>,
          %select_n3A_428 = arith.select %eq3A_276, %get3A_95, %get3A_159 : vector<16xi1>, vector<16xf32>
          %add3A_429 = arith.addf %gather3A_426, %gather3A_427 : vector<16xf32>
          %add3A_430 = arith.addf %add3A_429, %select_n3A_428 : vector<16xf32>
          %swap3A_431 = arith.index_cast %add3A_279 : i32 to index
          %swap3A_432 = arith.constant 128 : index
          %swap3A_433 = tpu.vector_load %arg15[%swap3A_431, %swap3A_432] {strides = array<i32>} : memref<32x256xf32, #tpu.memory_space<vmem>>, vector<16xf32>,
          tpu.vector_store %arg15[%swap3A_431, %swap3A_432], %add3A_374 {strides = array<i32>} : memref<32x256xf32, #tpu.memory_space<vmem>>, vector<16xf32>,
          %swap3A_434 = arith.index_cast %add3A_279 : i32 to index
          %swap3A_435 = arith.constant 144 : index
          %swap3A_436 = tpu.vector_load %arg15[%swap3A_434, %swap3A_435] {strides = array<i32>} : memref<32x256xf32, #tpu.memory_space<vmem>>, vector<16xf32>,
          tpu.vector_store %arg15[%swap3A_434, %swap3A_435], %add3A_382 {strides = array<i32>} : memref<32x256xf32, #tpu.memory_space<vmem>>, vector<16xf32>,
          %swap3A_437 = arith.index_cast %add3A_279 : i32 to index
          %swap3A_438 = arith.constant 160 : index
          %swap3A_439 = tpu.vector_load %arg15[%swap3A_437, %swap3A_438] {strides = array<i32>} : memref<32x256xf32, #tpu.memory_space<vmem>>, vector<16xf32>,
          tpu.vector_store %arg15[%swap3A_437, %swap3A_438], %add3A_390 {strides = array<i32>} : memref<32x256xf32, #tpu.memory_space<vmem>>, vector<16xf32>,
          %swap3A_440 = arith.index_cast %add3A_279 : i32 to index
          %swap3A_441 = arith.constant 176 : index
          %swap3A_442 = tpu.vector_load %arg15[%swap3A_440, %swap3A_441] {strides = array<i32>} : memref<32x256xf32, #tpu.memory_space<vmem>>, vector<16xf32>,
          tpu.vector_store %arg15[%swap3A_440, %swap3A_441], %add3A_398 {strides = array<i32>} : memref<32x256xf32, #tpu.memory_space<vmem>>, vector<16xf32>,
          %swap3A_443 = arith.index_cast %add3A_279 : i32 to index
          %swap3A_444 = arith.constant 192 : index
          %swap3A_445 = tpu.vector_load %arg15[%swap3A_443, %swap3A_444] {strides = array<i32>} : memref<32x256xf32, #tpu.memory_space<vmem>>, vector<16xf32>,
          tpu.vector_store %arg15[%swap3A_443, %swap3A_444], %add3A_406 {strides = array<i32>} : memref<32x256xf32, #tpu.memory_space<vmem>>, vector<16xf32>,
          %swap3A_446 = arith.index_cast %add3A_279 : i32 to index
          %swap3A_447 = arith.constant 208 : index
          %swap3A_448 = tpu.vector_load %arg15[%swap3A_446, %swap3A_447] {strides = array<i32>} : memref<32x256xf32, #tpu.memory_space<vmem>>, vector<16xf32>,
          tpu.vector_store %arg15[%swap3A_446, %swap3A_447], %add3A_414 {strides = array<i32>} : memref<32x256xf32, #tpu.memory_space<vmem>>, vector<16xf32>,
          %swap3A_449 = arith.index_cast %add3A_279 : i32 to index
          %swap3A_450 = arith.constant 224 : index
          %swap3A_451 = tpu.vector_load %arg15[%swap3A_449, %swap3A_450] {strides = array<i32>} : memref<32x256xf32, #tpu.memory_space<vmem>>, vector<16xf32>,
          tpu.vector_store %arg15[%swap3A_449, %swap3A_450], %add3A_422 {strides = array<i32>} : memref<32x256xf32, #tpu.memory_space<vmem>>, vector<16xf32>,
          %swap3A_452 = arith.index_cast %add3A_279 : i32 to index
          %swap3A_453 = arith.constant 240 : index
          %swap3A_454 = tpu.vector_load %arg15[%swap3A_452, %swap3A_453] {strides = array<i32>} : memref<32x256xf32, #tpu.memory_space<vmem>>, vector<16xf32>,
          tpu.vector_store %arg15[%swap3A_452, %swap3A_453], %add3A_430 {strides = array<i32>} : memref<32x256xf32, #tpu.memory_space<vmem>>, vector<16xf32>,
          %scan3A_455 = arith.constant 0 : i32
          scf.yield %scan3A_455 : i32
        }
        %scan3A_241 = arith.constant 16 : i32
        %scan3A_242 = arith.constant 0 : i32
        scf.yield %scan3A_242 : i32
      }
      %scan3A_191 = arith.constant 2 : i32
      %mul3A_192 = arith.constant 32 : i32
      %mul3A_193 = arith.muli %add3A_182, %mul3A_192 : i32
      %add3A_194 = arith.addi %mul3A_32, %mul3A_193 : i32
      %mul3A_195 = arith.constant 256 : i32
      %mul3A_196 = arith.muli %select_n3A_30, %mul3A_195 : i32
      %dma_start3A = tpu.memref_slice %arg8[%add3A_194, %mul3A_196] : memref<8192x1024xf32, #tpu.memory_space<hbm>> -> memref<32x256xf32, #tpu.memory_space<hbm>>
      %dma_start3A_197 = tpu.memref_slice %arg8[%add3A_194, %mul3A_196] : memref<8192x1024xf32, #tpu.memory_space<hbm>> -> memref<32x256xf32, #tpu.memory_space<hbm>>
      tpu.enqueue_dma source(%arg15 : memref<32x256xf32, #tpu.memory_space<vmem>>) target(%dma_start3A_197 : memref<32x256xf32, #tpu.memory_space<hbm>>) target_semaphore(%arg17 : memref<!tpu.dma_semaphore, #tpu.memory_space<semaphore_mem>>)
      %mul3A_198 = arith.constant 2 : i32
      %mul3A_199 = arith.muli %scan3A_177, %mul3A_198 : i32
      %add3A_200 = arith.constant 1 : i32
      %add3A_201 = arith.addi %mul3A_199, %add3A_200 : i32
      %gt3A_202 = arith.constant 0 : i32
      %gt3A_203 = arith.cmpi sgt, %scan3A_177, %gt3A_202 : i32
      %convert_element_type3A_204 = arith.extui %gt3A_203 : i1 to i32
      %cond3A_205 = arith.constant 0 : i32
      %cond3A_206 = arith.cmpi ne, %convert_element_type3A_204, %cond3A_205 : i32
      scf.if %cond3A_206 {
        %mul3A_222 = arith.constant 32 : i32
        %mul3A_223 = arith.muli %add3A_201, %mul3A_222 : i32
        %add3A_224 = arith.addi %mul3A_32, %mul3A_223 : i32
        %mul3A_225 = arith.constant 256 : i32
        %mul3A_226 = arith.muli %select_n3A_30, %mul3A_225 : i32
        %dma_wait3A_227 = tpu.memref_slice %arg8[%add3A_224, %mul3A_226] : memref<8192x1024xf32, #tpu.memory_space<hbm>> -> memref<32x256xf32, #tpu.memory_space<hbm>>
        %dma_wait3A_228 = tpu.memref_slice %arg8[%add3A_224, %mul3A_226] : memref<8192x1024xf32, #tpu.memory_space<hbm>> -> memref<32x256xf32, #tpu.memory_space<hbm>>
        tpu.wait_dma2 semaphore(%arg18 : memref<!tpu.dma_semaphore, #tpu.memory_space<semaphore_mem>>) src(%arg16 : memref<32x256xf32, #tpu.memory_space<vmem>>) dst(%dma_wait3A_228 : memref<32x256xf32, #tpu.memory_space<hbm>>)
      } else {
      }
      %scan3A_207 = arith.constant 0 : i32
      %scan3A_208 = arith.constant 0 : i32
      %scan3A_209 = arith.constant 2 : i32
      %scan3A_210 = arith.addi %scan3A_208, %scan3A_209 : i32
      %scan3A_211 = arith.constant 1 : i32
      %scan3A_212 = scf.for %scan3A_222 = %scan3A_208 to %scan3A_210 step %scan3A_211 iter_args(%scan3A_223 = %scan3A_207) -> (i32)  : i32 {
        %mul3A_224 = arith.constant 32 : i32
        %mul3A_225 = arith.muli %add3A_201, %mul3A_224 : i32
        %mul3A_226 = arith.constant 16 : i32
        %mul3A_227 = arith.muli %scan3A_222, %mul3A_226 : i32
        %add3A_228 = arith.addi %mul3A_225, %mul3A_227 : i32
        %get3A_229 = arith.index_cast %add3A_228 : i32 to index
        %get3A_230 = tpu.vector_load %arg9[%get3A_229] {strides = array<i32>} : memref<1024xi32, #tpu.memory_space<vmem>>, vector<16xi32>,
        %get3A_231 = arith.index_cast %add3A_228 : i32 to index
        %get3A_232 = tpu.vector_load %arg10[%get3A_231] {strides = array<i32>} : memref<1024xi32, #tpu.memory_space<vmem>>, vector<16xi32>,
        %get3A_233 = arith.index_cast %add3A_228 : i32 to index
        %get3A_234 = tpu.vector_load %arg11[%get3A_233] {strides = array<i32>} : memref<1024xi32, #tpu.memory_space<vmem>>, vector<16xi32>,
        %scan3A_235 = arith.constant 0 : i32
        %scan3A_236 = arith.constant 0 : i32
        %scan3A_237 = arith.constant 16 : i32
        %scan3A_238 = arith.addi %scan3A_236, %scan3A_237 : i32
        %scan3A_239 = arith.constant 1 : i32
        %scan3A_240 = scf.for %scan3A_243 = %scan3A_236 to %scan3A_238 step %scan3A_239 iter_args(%scan3A_244 = %scan3A_235) -> (i32)  : i32 {
          %broadcast_in_dim3A = vector.broadcast %scan3A_243 : i32 to vector<16xi32>
          %lt3A_245 = arith.constant 0 : i32
          %lt3A_246 = vector.broadcast %lt3A_245 : i32 to vector<16xi32>
          %lt3A_247 = arith.cmpi slt, %broadcast_in_dim3A, %lt3A_246 : vector<16xi32>
          %add3A_248 = arith.constant 16 : i32
          %add3A_249 = vector.broadcast %add3A_248 : i32 to vector<16xi32>
          %add3A_250 = arith.addi %broadcast_in_dim3A, %add3A_249 : vector<16xi32>
          %select_n3A_251 = arith.select %lt3A_247, %add3A_250, %broadcast_in_dim3A : vector<16xi1>, vector<16xi32>
          %broadcast_in_dim3A_252 = vector.shape_cast %select_n3A_251 : vector<16xi32> to vector<16x1xi32>
          %gather3A = vector.shape_cast %broadcast_in_dim3A_252 : vector<16x1xi32> to vector<16xi32>
          %gather3A_253 = tpu.dynamic_gather %get3A_230[%gather3A] in [0] : vector<16xi32>, vector<16xi32> -> vector<16xi32>
          %lt3A_254 = arith.constant 0 : i32
          %lt3A_255 = vector.broadcast %lt3A_254 : i32 to vector<16xi32>
          %lt3A_256 = arith.cmpi slt, %broadcast_in_dim3A, %lt3A_255 : vector<16xi32>
          %add3A_257 = arith.constant 16 : i32
          %add3A_258 = vector.broadcast %add3A_257 : i32 to vector<16xi32>
          %add3A_259 = arith.addi %broadcast_in_dim3A, %add3A_258 : vector<16xi32>
          %select_n3A_260 = arith.select %lt3A_256, %add3A_259, %broadcast_in_dim3A : vector<16xi1>, vector<16xi32>
          %broadcast_in_dim3A_261 = vector.shape_cast %select_n3A_260 : vector<16xi32> to vector<16x1xi32>
          %gather3A_262 = vector.shape_cast %broadcast_in_dim3A_261 : vector<16x1xi32> to vector<16xi32>
          %gather3A_263 = tpu.dynamic_gather %get3A_232[%gather3A_262] in [0] : vector<16xi32>, vector<16xi32> -> vector<16xi32>
          %lt3A_264 = arith.constant 0 : i32
          %lt3A_265 = vector.broadcast %lt3A_264 : i32 to vector<16xi32>
          %lt3A_266 = arith.cmpi slt, %broadcast_in_dim3A, %lt3A_265 : vector<16xi32>
          %add3A_267 = arith.constant 16 : i32
          %add3A_268 = vector.broadcast %add3A_267 : i32 to vector<16xi32>
          %add3A_269 = arith.addi %broadcast_in_dim3A, %add3A_268 : vector<16xi32>
          %select_n3A_270 = arith.select %lt3A_266, %add3A_269, %broadcast_in_dim3A : vector<16xi1>, vector<16xi32>
          %broadcast_in_dim3A_271 = vector.shape_cast %select_n3A_270 : vector<16xi32> to vector<16x1xi32>
          %gather3A_272 = vector.shape_cast %broadcast_in_dim3A_271 : vector<16x1xi32> to vector<16xi32>
          %gather3A_273 = tpu.dynamic_gather %get3A_234[%gather3A_272] in [0] : vector<16xi32>, vector<16xi32> -> vector<16xi32>
          %eq3A_274 = arith.constant 0 : i32
          %eq3A_275 = vector.broadcast %eq3A_274 : i32 to vector<16xi32>
          %eq3A_276 = arith.cmpi eq, %gather3A_273, %eq3A_275 : vector<16xi32>
          %mul3A_277 = arith.constant 16 : i32
          %mul3A_278 = arith.muli %scan3A_222, %mul3A_277 : i32
          %add3A_279 = arith.addi %mul3A_278, %scan3A_243 : i32
          %add3A_280 = arith.constant 0 : i32
          %add3A_281 = vector.broadcast %add3A_280 : i32 to vector<16xi32>
          %add3A_282 = arith.addi %add3A_281, %iota3A : vector<16xi32>
          %gather3A_283 = tpu.vector_load_idx %arg12[%gather3A_253, %add3A_282] : memref<183x256xf32, #tpu.memory_space<vmem>>[vector<16xi32>, vector<16xi32>], vector<16xf32>,
          %gather3A_284 = tpu.vector_load_idx %arg13[%gather3A_263, %add3A_282] : memref<183x256xf32, #tpu.memory_space<vmem>>[vector<16xi32>, vector<16xi32>], vector<16xf32>,
          %select_n3A_285 = arith.select %eq3A_276, %get3A_35, %get3A_99 : vector<16xi1>, vector<16xf32>
          %add3A_286 = arith.addf %gather3A_283, %gather3A_284 : vector<16xf32>
          %add3A_287 = arith.addf %add3A_286, %select_n3A_285 : vector<16xf32>
          %add3A_288 = arith.constant 16 : i32
          %add3A_289 = vector.broadcast %add3A_288 : i32 to vector<16xi32>
          %add3A_290 = arith.addi %add3A_289, %iota3A : vector<16xi32>
          %gather3A_291 = tpu.vector_load_idx %arg12[%gather3A_253, %add3A_290] : memref<183x256xf32, #tpu.memory_space<vmem>>[vector<16xi32>, vector<16xi32>], vector<16xf32>,
          %gather3A_292 = tpu.vector_load_idx %arg13[%gather3A_263, %add3A_290] : memref<183x256xf32, #tpu.memory_space<vmem>>[vector<16xi32>, vector<16xi32>], vector<16xf32>,
          %select_n3A_293 = arith.select %eq3A_276, %get3A_39, %get3A_103 : vector<16xi1>, vector<16xf32>
          %add3A_294 = arith.addf %gather3A_291, %gather3A_292 : vector<16xf32>
          %add3A_295 = arith.addf %add3A_294, %select_n3A_293 : vector<16xf32>
          %add3A_296 = arith.constant 32 : i32
          %add3A_297 = vector.broadcast %add3A_296 : i32 to vector<16xi32>
          %add3A_298 = arith.addi %add3A_297, %iota3A : vector<16xi32>
          %gather3A_299 = tpu.vector_load_idx %arg12[%gather3A_253, %add3A_298] : memref<183x256xf32, #tpu.memory_space<vmem>>[vector<16xi32>, vector<16xi32>], vector<16xf32>,
          %gather3A_300 = tpu.vector_load_idx %arg13[%gather3A_263, %add3A_298] : memref<183x256xf32, #tpu.memory_space<vmem>>[vector<16xi32>, vector<16xi32>], vector<16xf32>,
          %select_n3A_301 = arith.select %eq3A_276, %get3A_43, %get3A_107 : vector<16xi1>, vector<16xf32>
          %add3A_302 = arith.addf %gather3A_299, %gather3A_300 : vector<16xf32>
          %add3A_303 = arith.addf %add3A_302, %select_n3A_301 : vector<16xf32>
          %add3A_304 = arith.constant 48 : i32
          %add3A_305 = vector.broadcast %add3A_304 : i32 to vector<16xi32>
          %add3A_306 = arith.addi %add3A_305, %iota3A : vector<16xi32>
          %gather3A_307 = tpu.vector_load_idx %arg12[%gather3A_253, %add3A_306] : memref<183x256xf32, #tpu.memory_space<vmem>>[vector<16xi32>, vector<16xi32>], vector<16xf32>,
          %gather3A_308 = tpu.vector_load_idx %arg13[%gather3A_263, %add3A_306] : memref<183x256xf32, #tpu.memory_space<vmem>>[vector<16xi32>, vector<16xi32>], vector<16xf32>,
          %select_n3A_309 = arith.select %eq3A_276, %get3A_47, %get3A_111 : vector<16xi1>, vector<16xf32>
          %add3A_310 = arith.addf %gather3A_307, %gather3A_308 : vector<16xf32>
          %add3A_311 = arith.addf %add3A_310, %select_n3A_309 : vector<16xf32>
          %add3A_312 = arith.constant 64 : i32
          %add3A_313 = vector.broadcast %add3A_312 : i32 to vector<16xi32>
          %add3A_314 = arith.addi %add3A_313, %iota3A : vector<16xi32>
          %gather3A_315 = tpu.vector_load_idx %arg12[%gather3A_253, %add3A_314] : memref<183x256xf32, #tpu.memory_space<vmem>>[vector<16xi32>, vector<16xi32>], vector<16xf32>,
          %gather3A_316 = tpu.vector_load_idx %arg13[%gather3A_263, %add3A_314] : memref<183x256xf32, #tpu.memory_space<vmem>>[vector<16xi32>, vector<16xi32>], vector<16xf32>,
          %select_n3A_317 = arith.select %eq3A_276, %get3A_51, %get3A_115 : vector<16xi1>, vector<16xf32>
          %add3A_318 = arith.addf %gather3A_315, %gather3A_316 : vector<16xf32>
          %add3A_319 = arith.addf %add3A_318, %select_n3A_317 : vector<16xf32>
          %add3A_320 = arith.constant 80 : i32
          %add3A_321 = vector.broadcast %add3A_320 : i32 to vector<16xi32>
          %add3A_322 = arith.addi %add3A_321, %iota3A : vector<16xi32>
          %gather3A_323 = tpu.vector_load_idx %arg12[%gather3A_253, %add3A_322] : memref<183x256xf32, #tpu.memory_space<vmem>>[vector<16xi32>, vector<16xi32>], vector<16xf32>,
          %gather3A_324 = tpu.vector_load_idx %arg13[%gather3A_263, %add3A_322] : memref<183x256xf32, #tpu.memory_space<vmem>>[vector<16xi32>, vector<16xi32>], vector<16xf32>,
          %select_n3A_325 = arith.select %eq3A_276, %get3A_55, %get3A_119 : vector<16xi1>, vector<16xf32>
          %add3A_326 = arith.addf %gather3A_323, %gather3A_324 : vector<16xf32>
          %add3A_327 = arith.addf %add3A_326, %select_n3A_325 : vector<16xf32>
          %add3A_328 = arith.constant 96 : i32
          %add3A_329 = vector.broadcast %add3A_328 : i32 to vector<16xi32>
          %add3A_330 = arith.addi %add3A_329, %iota3A : vector<16xi32>
          %gather3A_331 = tpu.vector_load_idx %arg12[%gather3A_253, %add3A_330] : memref<183x256xf32, #tpu.memory_space<vmem>>[vector<16xi32>, vector<16xi32>], vector<16xf32>,
          %gather3A_332 = tpu.vector_load_idx %arg13[%gather3A_263, %add3A_330] : memref<183x256xf32, #tpu.memory_space<vmem>>[vector<16xi32>, vector<16xi32>], vector<16xf32>,
          %select_n3A_333 = arith.select %eq3A_276, %get3A_59, %get3A_123 : vector<16xi1>, vector<16xf32>
          %add3A_334 = arith.addf %gather3A_331, %gather3A_332 : vector<16xf32>
          %add3A_335 = arith.addf %add3A_334, %select_n3A_333 : vector<16xf32>
          %add3A_336 = arith.constant 112 : i32
          %add3A_337 = vector.broadcast %add3A_336 : i32 to vector<16xi32>
          %add3A_338 = arith.addi %add3A_337, %iota3A : vector<16xi32>
          %gather3A_339 = tpu.vector_load_idx %arg12[%gather3A_253, %add3A_338] : memref<183x256xf32, #tpu.memory_space<vmem>>[vector<16xi32>, vector<16xi32>], vector<16xf32>,
          %gather3A_340 = tpu.vector_load_idx %arg13[%gather3A_263, %add3A_338] : memref<183x256xf32, #tpu.memory_space<vmem>>[vector<16xi32>, vector<16xi32>], vector<16xf32>,
          %select_n3A_341 = arith.select %eq3A_276, %get3A_63, %get3A_127 : vector<16xi1>, vector<16xf32>
          %add3A_342 = arith.addf %gather3A_339, %gather3A_340 : vector<16xf32>
          %add3A_343 = arith.addf %add3A_342, %select_n3A_341 : vector<16xf32>
          %swap3A = arith.index_cast %add3A_279 : i32 to index
          %swap3A_344 = arith.constant 0 : index
          %swap3A_345 = tpu.vector_load %arg16[%swap3A, %swap3A_344] {strides = array<i32>} : memref<32x256xf32, #tpu.memory_space<vmem>>, vector<16xf32>,
          tpu.vector_store %arg16[%swap3A, %swap3A_344], %add3A_287 {strides = array<i32>} : memref<32x256xf32, #tpu.memory_space<vmem>>, vector<16xf32>,
          %swap3A_346 = arith.index_cast %add3A_279 : i32 to index
          %swap3A_347 = arith.constant 16 : index
          %swap3A_348 = tpu.vector_load %arg16[%swap3A_346, %swap3A_347] {strides = array<i32>} : memref<32x256xf32, #tpu.memory_space<vmem>>, vector<16xf32>,
          tpu.vector_store %arg16[%swap3A_346, %swap3A_347], %add3A_295 {strides = array<i32>} : memref<32x256xf32, #tpu.memory_space<vmem>>, vector<16xf32>,
          %swap3A_349 = arith.index_cast %add3A_279 : i32 to index
          %swap3A_350 = arith.constant 32 : index
          %swap3A_351 = tpu.vector_load %arg16[%swap3A_349, %swap3A_350] {strides = array<i32>} : memref<32x256xf32, #tpu.memory_space<vmem>>, vector<16xf32>,
          tpu.vector_store %arg16[%swap3A_349, %swap3A_350], %add3A_303 {strides = array<i32>} : memref<32x256xf32, #tpu.memory_space<vmem>>, vector<16xf32>,
          %swap3A_352 = arith.index_cast %add3A_279 : i32 to index
          %swap3A_353 = arith.constant 48 : index
          %swap3A_354 = tpu.vector_load %arg16[%swap3A_352, %swap3A_353] {strides = array<i32>} : memref<32x256xf32, #tpu.memory_space<vmem>>, vector<16xf32>,
          tpu.vector_store %arg16[%swap3A_352, %swap3A_353], %add3A_311 {strides = array<i32>} : memref<32x256xf32, #tpu.memory_space<vmem>>, vector<16xf32>,
          %swap3A_355 = arith.index_cast %add3A_279 : i32 to index
          %swap3A_356 = arith.constant 64 : index
          %swap3A_357 = tpu.vector_load %arg16[%swap3A_355, %swap3A_356] {strides = array<i32>} : memref<32x256xf32, #tpu.memory_space<vmem>>, vector<16xf32>,
          tpu.vector_store %arg16[%swap3A_355, %swap3A_356], %add3A_319 {strides = array<i32>} : memref<32x256xf32, #tpu.memory_space<vmem>>, vector<16xf32>,
          %swap3A_358 = arith.index_cast %add3A_279 : i32 to index
          %swap3A_359 = arith.constant 80 : index
          %swap3A_360 = tpu.vector_load %arg16[%swap3A_358, %swap3A_359] {strides = array<i32>} : memref<32x256xf32, #tpu.memory_space<vmem>>, vector<16xf32>,
          tpu.vector_store %arg16[%swap3A_358, %swap3A_359], %add3A_327 {strides = array<i32>} : memref<32x256xf32, #tpu.memory_space<vmem>>, vector<16xf32>,
          %swap3A_361 = arith.index_cast %add3A_279 : i32 to index
          %swap3A_362 = arith.constant 96 : index
          %swap3A_363 = tpu.vector_load %arg16[%swap3A_361, %swap3A_362] {strides = array<i32>} : memref<32x256xf32, #tpu.memory_space<vmem>>, vector<16xf32>,
          tpu.vector_store %arg16[%swap3A_361, %swap3A_362], %add3A_335 {strides = array<i32>} : memref<32x256xf32, #tpu.memory_space<vmem>>, vector<16xf32>,
          %swap3A_364 = arith.index_cast %add3A_279 : i32 to index
          %swap3A_365 = arith.constant 112 : index
          %swap3A_366 = tpu.vector_load %arg16[%swap3A_364, %swap3A_365] {strides = array<i32>} : memref<32x256xf32, #tpu.memory_space<vmem>>, vector<16xf32>,
          tpu.vector_store %arg16[%swap3A_364, %swap3A_365], %add3A_343 {strides = array<i32>} : memref<32x256xf32, #tpu.memory_space<vmem>>, vector<16xf32>,
          %add3A_367 = arith.constant 128 : i32
          %add3A_368 = vector.broadcast %add3A_367 : i32 to vector<16xi32>
          %add3A_369 = arith.addi %add3A_368, %iota3A : vector<16xi32>
          %gather3A_370 = tpu.vector_load_idx %arg12[%gather3A_253, %add3A_369] : memref<183x256xf32, #tpu.memory_space<vmem>>[vector<16xi32>, vector<16xi32>], vector<16xf32>,
          %gather3A_371 = tpu.vector_load_idx %arg13[%gather3A_263, %add3A_369] : memref<183x256xf32, #tpu.memory_space<vmem>>[vector<16xi32>, vector<16xi32>], vector<16xf32>,
          %select_n3A_372 = arith.select %eq3A_276, %get3A_67, %get3A_131 : vector<16xi1>, vector<16xf32>
          %add3A_373 = arith.addf %gather3A_370, %gather3A_371 : vector<16xf32>
          %add3A_374 = arith.addf %add3A_373, %select_n3A_372 : vector<16xf32>
          %add3A_375 = arith.constant 144 : i32
          %add3A_376 = vector.broadcast %add3A_375 : i32 to vector<16xi32>
          %add3A_377 = arith.addi %add3A_376, %iota3A : vector<16xi32>
          %gather3A_378 = tpu.vector_load_idx %arg12[%gather3A_253, %add3A_377] : memref<183x256xf32, #tpu.memory_space<vmem>>[vector<16xi32>, vector<16xi32>], vector<16xf32>,
          %gather3A_379 = tpu.vector_load_idx %arg13[%gather3A_263, %add3A_377] : memref<183x256xf32, #tpu.memory_space<vmem>>[vector<16xi32>, vector<16xi32>], vector<16xf32>,
          %select_n3A_380 = arith.select %eq3A_276, %get3A_71, %get3A_135 : vector<16xi1>, vector<16xf32>
          %add3A_381 = arith.addf %gather3A_378, %gather3A_379 : vector<16xf32>
          %add3A_382 = arith.addf %add3A_381, %select_n3A_380 : vector<16xf32>
          %add3A_383 = arith.constant 160 : i32
          %add3A_384 = vector.broadcast %add3A_383 : i32 to vector<16xi32>
          %add3A_385 = arith.addi %add3A_384, %iota3A : vector<16xi32>
          %gather3A_386 = tpu.vector_load_idx %arg12[%gather3A_253, %add3A_385] : memref<183x256xf32, #tpu.memory_space<vmem>>[vector<16xi32>, vector<16xi32>], vector<16xf32>,
          %gather3A_387 = tpu.vector_load_idx %arg13[%gather3A_263, %add3A_385] : memref<183x256xf32, #tpu.memory_space<vmem>>[vector<16xi32>, vector<16xi32>], vector<16xf32>,
          %select_n3A_388 = arith.select %eq3A_276, %get3A_75, %get3A_139 : vector<16xi1>, vector<16xf32>
          %add3A_389 = arith.addf %gather3A_386, %gather3A_387 : vector<16xf32>
          %add3A_390 = arith.addf %add3A_389, %select_n3A_388 : vector<16xf32>
          %add3A_391 = arith.constant 176 : i32
          %add3A_392 = vector.broadcast %add3A_391 : i32 to vector<16xi32>
          %add3A_393 = arith.addi %add3A_392, %iota3A : vector<16xi32>
          %gather3A_394 = tpu.vector_load_idx %arg12[%gather3A_253, %add3A_393] : memref<183x256xf32, #tpu.memory_space<vmem>>[vector<16xi32>, vector<16xi32>], vector<16xf32>,
          %gather3A_395 = tpu.vector_load_idx %arg13[%gather3A_263, %add3A_393] : memref<183x256xf32, #tpu.memory_space<vmem>>[vector<16xi32>, vector<16xi32>], vector<16xf32>,
          %select_n3A_396 = arith.select %eq3A_276, %get3A_79, %get3A_143 : vector<16xi1>, vector<16xf32>
          %add3A_397 = arith.addf %gather3A_394, %gather3A_395 : vector<16xf32>
          %add3A_398 = arith.addf %add3A_397, %select_n3A_396 : vector<16xf32>
          %add3A_399 = arith.constant 192 : i32
          %add3A_400 = vector.broadcast %add3A_399 : i32 to vector<16xi32>
          %add3A_401 = arith.addi %add3A_400, %iota3A : vector<16xi32>
          %gather3A_402 = tpu.vector_load_idx %arg12[%gather3A_253, %add3A_401] : memref<183x256xf32, #tpu.memory_space<vmem>>[vector<16xi32>, vector<16xi32>], vector<16xf32>,
          %gather3A_403 = tpu.vector_load_idx %arg13[%gather3A_263, %add3A_401] : memref<183x256xf32, #tpu.memory_space<vmem>>[vector<16xi32>, vector<16xi32>], vector<16xf32>,
          %select_n3A_404 = arith.select %eq3A_276, %get3A_83, %get3A_147 : vector<16xi1>, vector<16xf32>
          %add3A_405 = arith.addf %gather3A_402, %gather3A_403 : vector<16xf32>
          %add3A_406 = arith.addf %add3A_405, %select_n3A_404 : vector<16xf32>
          %add3A_407 = arith.constant 208 : i32
          %add3A_408 = vector.broadcast %add3A_407 : i32 to vector<16xi32>
          %add3A_409 = arith.addi %add3A_408, %iota3A : vector<16xi32>
          %gather3A_410 = tpu.vector_load_idx %arg12[%gather3A_253, %add3A_409] : memref<183x256xf32, #tpu.memory_space<vmem>>[vector<16xi32>, vector<16xi32>], vector<16xf32>,
          %gather3A_411 = tpu.vector_load_idx %arg13[%gather3A_263, %add3A_409] : memref<183x256xf32, #tpu.memory_space<vmem>>[vector<16xi32>, vector<16xi32>], vector<16xf32>,
          %select_n3A_412 = arith.select %eq3A_276, %get3A_87, %get3A_151 : vector<16xi1>, vector<16xf32>
          %add3A_413 = arith.addf %gather3A_410, %gather3A_411 : vector<16xf32>
          %add3A_414 = arith.addf %add3A_413, %select_n3A_412 : vector<16xf32>
          %add3A_415 = arith.constant 224 : i32
          %add3A_416 = vector.broadcast %add3A_415 : i32 to vector<16xi32>
          %add3A_417 = arith.addi %add3A_416, %iota3A : vector<16xi32>
          %gather3A_418 = tpu.vector_load_idx %arg12[%gather3A_253, %add3A_417] : memref<183x256xf32, #tpu.memory_space<vmem>>[vector<16xi32>, vector<16xi32>], vector<16xf32>,
          %gather3A_419 = tpu.vector_load_idx %arg13[%gather3A_263, %add3A_417] : memref<183x256xf32, #tpu.memory_space<vmem>>[vector<16xi32>, vector<16xi32>], vector<16xf32>,
          %select_n3A_420 = arith.select %eq3A_276, %get3A_91, %get3A_155 : vector<16xi1>, vector<16xf32>
          %add3A_421 = arith.addf %gather3A_418, %gather3A_419 : vector<16xf32>
          %add3A_422 = arith.addf %add3A_421, %select_n3A_420 : vector<16xf32>
          %add3A_423 = arith.constant 240 : i32
          %add3A_424 = vector.broadcast %add3A_423 : i32 to vector<16xi32>
          %add3A_425 = arith.addi %add3A_424, %iota3A : vector<16xi32>
          %gather3A_426 = tpu.vector_load_idx %arg12[%gather3A_253, %add3A_425] : memref<183x256xf32, #tpu.memory_space<vmem>>[vector<16xi32>, vector<16xi32>], vector<16xf32>,
          %gather3A_427 = tpu.vector_load_idx %arg13[%gather3A_263, %add3A_425] : memref<183x256xf32, #tpu.memory_space<vmem>>[vector<16xi32>, vector<16xi32>], vector<16xf32>,
          %select_n3A_428 = arith.select %eq3A_276, %get3A_95, %get3A_159 : vector<16xi1>, vector<16xf32>
          %add3A_429 = arith.addf %gather3A_426, %gather3A_427 : vector<16xf32>
          %add3A_430 = arith.addf %add3A_429, %select_n3A_428 : vector<16xf32>
          %swap3A_431 = arith.index_cast %add3A_279 : i32 to index
          %swap3A_432 = arith.constant 128 : index
          %swap3A_433 = tpu.vector_load %arg16[%swap3A_431, %swap3A_432] {strides = array<i32>} : memref<32x256xf32, #tpu.memory_space<vmem>>, vector<16xf32>,
          tpu.vector_store %arg16[%swap3A_431, %swap3A_432], %add3A_374 {strides = array<i32>} : memref<32x256xf32, #tpu.memory_space<vmem>>, vector<16xf32>,
          %swap3A_434 = arith.index_cast %add3A_279 : i32 to index
          %swap3A_435 = arith.constant 144 : index
          %swap3A_436 = tpu.vector_load %arg16[%swap3A_434, %swap3A_435] {strides = array<i32>} : memref<32x256xf32, #tpu.memory_space<vmem>>, vector<16xf32>,
          tpu.vector_store %arg16[%swap3A_434, %swap3A_435], %add3A_382 {strides = array<i32>} : memref<32x256xf32, #tpu.memory_space<vmem>>, vector<16xf32>,
          %swap3A_437 = arith.index_cast %add3A_279 : i32 to index
          %swap3A_438 = arith.constant 160 : index
          %swap3A_439 = tpu.vector_load %arg16[%swap3A_437, %swap3A_438] {strides = array<i32>} : memref<32x256xf32, #tpu.memory_space<vmem>>, vector<16xf32>,
          tpu.vector_store %arg16[%swap3A_437, %swap3A_438], %add3A_390 {strides = array<i32>} : memref<32x256xf32, #tpu.memory_space<vmem>>, vector<16xf32>,
          %swap3A_440 = arith.index_cast %add3A_279 : i32 to index
          %swap3A_441 = arith.constant 176 : index
          %swap3A_442 = tpu.vector_load %arg16[%swap3A_440, %swap3A_441] {strides = array<i32>} : memref<32x256xf32, #tpu.memory_space<vmem>>, vector<16xf32>,
          tpu.vector_store %arg16[%swap3A_440, %swap3A_441], %add3A_398 {strides = array<i32>} : memref<32x256xf32, #tpu.memory_space<vmem>>, vector<16xf32>,
          %swap3A_443 = arith.index_cast %add3A_279 : i32 to index
          %swap3A_444 = arith.constant 192 : index
          %swap3A_445 = tpu.vector_load %arg16[%swap3A_443, %swap3A_444] {strides = array<i32>} : memref<32x256xf32, #tpu.memory_space<vmem>>, vector<16xf32>,
          tpu.vector_store %arg16[%swap3A_443, %swap3A_444], %add3A_406 {strides = array<i32>} : memref<32x256xf32, #tpu.memory_space<vmem>>, vector<16xf32>,
          %swap3A_446 = arith.index_cast %add3A_279 : i32 to index
          %swap3A_447 = arith.constant 208 : index
          %swap3A_448 = tpu.vector_load %arg16[%swap3A_446, %swap3A_447] {strides = array<i32>} : memref<32x256xf32, #tpu.memory_space<vmem>>, vector<16xf32>,
          tpu.vector_store %arg16[%swap3A_446, %swap3A_447], %add3A_414 {strides = array<i32>} : memref<32x256xf32, #tpu.memory_space<vmem>>, vector<16xf32>,
          %swap3A_449 = arith.index_cast %add3A_279 : i32 to index
          %swap3A_450 = arith.constant 224 : index
          %swap3A_451 = tpu.vector_load %arg16[%swap3A_449, %swap3A_450] {strides = array<i32>} : memref<32x256xf32, #tpu.memory_space<vmem>>, vector<16xf32>,
          tpu.vector_store %arg16[%swap3A_449, %swap3A_450], %add3A_422 {strides = array<i32>} : memref<32x256xf32, #tpu.memory_space<vmem>>, vector<16xf32>,
          %swap3A_452 = arith.index_cast %add3A_279 : i32 to index
          %swap3A_453 = arith.constant 240 : index
          %swap3A_454 = tpu.vector_load %arg16[%swap3A_452, %swap3A_453] {strides = array<i32>} : memref<32x256xf32, #tpu.memory_space<vmem>>, vector<16xf32>,
          tpu.vector_store %arg16[%swap3A_452, %swap3A_453], %add3A_430 {strides = array<i32>} : memref<32x256xf32, #tpu.memory_space<vmem>>, vector<16xf32>,
          %scan3A_455 = arith.constant 0 : i32
          scf.yield %scan3A_455 : i32
        }
        %scan3A_241 = arith.constant 16 : i32
        %scan3A_242 = arith.constant 0 : i32
        scf.yield %scan3A_242 : i32
      }
      %scan3A_213 = arith.constant 2 : i32
      %mul3A_214 = arith.constant 32 : i32
      %mul3A_215 = arith.muli %add3A_201, %mul3A_214 : i32
      %add3A_216 = arith.addi %mul3A_32, %mul3A_215 : i32
      %mul3A_217 = arith.constant 256 : i32
      %mul3A_218 = arith.muli %select_n3A_30, %mul3A_217 : i32
      %dma_start3A_219 = tpu.memref_slice %arg8[%add3A_216, %mul3A_218] : memref<8192x1024xf32, #tpu.memory_space<hbm>> -> memref<32x256xf32, #tpu.memory_space<hbm>>
      %dma_start3A_220 = tpu.memref_slice %arg8[%add3A_216, %mul3A_218] : memref<8192x1024xf32, #tpu.memory_space<hbm>> -> memref<32x256xf32, #tpu.memory_space<hbm>>
      tpu.enqueue_dma source(%arg16 : memref<32x256xf32, #tpu.memory_space<vmem>>) target(%dma_start3A_220 : memref<32x256xf32, #tpu.memory_space<hbm>>) target_semaphore(%arg18 : memref<!tpu.dma_semaphore, #tpu.memory_space<semaphore_mem>>)
      %scan3A_221 = arith.constant 0 : i32
      scf.yield %scan3A_221 : i32
    }
    %scan3A_165 = arith.constant 16 : i32
    %add3A_166 = arith.constant 0 : i32
    %add3A_167 = arith.addi %mul3A_32, %add3A_166 : i32
    %mul3A_168 = arith.constant 256 : i32
    %mul3A_169 = arith.muli %select_n3A_30, %mul3A_168 : i32
    %dma_wait3A = tpu.memref_slice %arg8[%add3A_167, %mul3A_169] : memref<8192x1024xf32, #tpu.memory_space<hbm>> -> memref<32x256xf32, #tpu.memory_space<hbm>>
    %dma_wait3A_170 = tpu.memref_slice %arg8[%add3A_167, %mul3A_169] : memref<8192x1024xf32, #tpu.memory_space<hbm>> -> memref<32x256xf32, #tpu.memory_space<hbm>>
    tpu.wait_dma2 semaphore(%arg17 : memref<!tpu.dma_semaphore, #tpu.memory_space<semaphore_mem>>) src(%arg15 : memref<32x256xf32, #tpu.memory_space<vmem>>) dst(%dma_wait3A_170 : memref<32x256xf32, #tpu.memory_space<hbm>>)
    %add3A_171 = arith.constant 32 : i32
    %add3A_172 = arith.addi %mul3A_32, %add3A_171 : i32
    %mul3A_173 = arith.constant 256 : i32
    %mul3A_174 = arith.muli %select_n3A_30, %mul3A_173 : i32
    %dma_wait3A_175 = tpu.memref_slice %arg8[%add3A_172, %mul3A_174] : memref<8192x1024xf32, #tpu.memory_space<hbm>> -> memref<32x256xf32, #tpu.memory_space<hbm>>
    %dma_wait3A_176 = tpu.memref_slice %arg8[%add3A_172, %mul3A_174] : memref<8192x1024xf32, #tpu.memory_space<hbm>> -> memref<32x256xf32, #tpu.memory_space<hbm>>
    tpu.wait_dma2 semaphore(%arg18 : memref<!tpu.dma_semaphore, #tpu.memory_space<semaphore_mem>>) src(%arg16 : memref<32x256xf32, #tpu.memory_space<vmem>>) dst(%dma_wait3A_176 : memref<32x256xf32, #tpu.memory_space<hbm>>)
    return
  }
}

</mosaic_0001>

<sc_bundles>
// kernel: _pos_encode.3.cloned.1.call-start
scs
__scs_entry_jumppad:
0x0: {  	(pc) =	sbr.rel $0x88, $3  }
0x1: {  	(tag) =	ssettag $0x0;
	lr =	simm.s32 $0x1  }
0x2: {  	[smem:$0x3F9B] =	sst lr;
	_ =	strace $0xD0000000  }
0x3: {  	_ = 	snop  }
0x4: {  	_ = 	snop  }
0x5: {  	_ = 	snop  }
0x6: {  	_ = 	snop  }
0x7: {  	_ = 	snop  }
__scs_overlays_trampoline_lowered:
0x8: {  	[smem:$0x3FAA] =	sst s0  }
0x9: {  	[smem:$0x3FAB] =	sst s1  }
0xa: {  	[smem:$0x3FAC] =	sst s2  }
0xb: {  	[smem:$0x3FAD] =	sst s3  }
0xc: {  	[smem:$0x3FAE] =	sst s4  }
0xd: {  	[smem:$0x3FAF] =	sst s5  }
0xe: {  	[smem:$0x3FB0] =	sst s6  }
0xf: {  	[smem:$0x3FB1] =	sst s7  }
0x10: {  	[smem:$0x3FB2] =	sst s8  }
0x11: {  	[smem:$0x3FB3] =	sst s9;
	s0 =	simm.s32 @!p0 $0x0  }
0x12: {  	s1 =	sld [smem:$0x3F99];
	s0 =	simm.s32 @p0 $0x1  }
0x13: {  	[smem:$0x3FB4] =	sst s0;
	s0 =	simm.s32 @!p1 $0x0  }
0x14: {  	s2 =	sld [smem:$0x3F98];
	s0 =	simm.s32 @p1 $0x1  }
0x15: {  	[smem:$0x3FB5] =	sst s0;
	s0 =	simm.s32 @!p2 $0x0  }
0x16: {  	s3 =	sld [smem:$0x3FDB];
	s0 =	simm.s32 @p2 $0x1  }
0x17: {  	s4 =	simm.s32 $0x1BF5;
	[smem:$0x3FB7] =	sst s0  }
0x18: {  	s0 =	sld [smem:$0x3F9A];
	_ =	swait.ge [sflag:s4], $0x0  }
0x19: {  	s7 =	sld [smem:$0x3F9B]  }
0x1a: {  	s8 =	sadd.s32 $0xFFFFE003, lr  }
0x1b: {  	s9 =	sadd.s32 $0xFFFFFEF7, lr;
	s5 =	simm.s32 $0xFFFFFFFF;
	p2 =	slt.u32 s8, $0xFFFFF086  }
0x1c: {  	p1 =	slt.u32 s9, $0xF7A;
	s5 =	simm.s32 @!p2 $0x0  }
0x1d: {  	s5 =	simm.s32 @p1 $0x1;
	p0 =	seq.s32 s7, s2  }
0x1e: {  	s7 =	smul.u32 @!p0 $0xF7A, s2;
	p2 =	seq.s32 @!p0 s5, $0x0  }
0x1f: {  	s9 =	smul.u32 $0xF7A, s1;
	s8 =	simm.s32 @!p0 $0x1BF5;
	p2 =	por !p2, p0  }
0x20: {  	[sflag:s8] =	ssyncset.s32 @!p0 $0xFFFFF086;
	s6 =	sadd.s32 @!p0 s3, s7;
	s7 =	simm.s32 @!p0 $0x108  }
0x21: {  	s3 =	sadd.s32 s3, s9;
	s6 =	sadd.s32 @!p0 $0x88, s6;
	s7 =	simm.s32 @p2 $0x1082  }
0x22: {  	[simem:s7], [sflag:s8] =	dma.local @!p0 [hbm:s6], $0xF7A  }
0x23: {  	s9 =	sor.u32 $0xD0000000, s2;
	s6 =	simm.s32 $0x108;
	_ =	swait.ge @!p0 [sflag:s8], $0x0  }
0x24: {  	s3 =	sadd.s32 $0x88, s3;
	s6 =	simm.s32 @!p1 $0x1082;
	[sflag:s4] =	ssyncset.s32 $0xFFFFF086  }
0x25: {  	[simem:s6], [sflag:s4] =	dma.local [hbm:s3], $0xF7A  }
0x26: {  	[smem:$0x3F9B] =	sst s1;
	(tag) =	ssettag s2;
	_ =	strace s9  }
0x27: {  	s1 =	sld [smem:$0x3FAB]  }
0x28: {  	s2 =	sld [smem:$0x3FAC]  }
0x29: {  	s4 =	sld [smem:$0x3FAE]  }
0x2a: {  	p0 =	seq.s32 s5, $0x0;
	s5 =	sld [smem:$0x3FAF]  }
0x2b: {  	s6 =	sld [smem:$0x3FB0]  }
0x2c: {  	s7 =	sld [smem:$0x3FB1]  }
0x2d: {  	s3 =	simm.s32 $0x108;
	s8 =	sld [smem:$0x3FB2]  }
0x2e: {  	s3 =	simm.s32 @!p0 $0x1082;
	s9 =	sld [smem:$0x3FB3]  }
0x2f: {  	lr =	sadd.s32 s0, s3;
	s0 =	sld [smem:$0x3FAA]  }
0x30: {  	s3 =	sld [smem:$0x3FAD]  }
0x31: {  	[smem:$0x3FB6] =	sst s10  }
0x32: {  	s10 =	sld [smem:$0x3FB4];
	_ =	sdelay $0x3  }
0x33: {  	p0 =	seq.s32 s10, $0x1;
	s10 =	sld [smem:$0x3FB6];
	_ =	sdelay $0x3  }
0x34: {  	[smem:$0x3FB6] =	sst s10  }
0x35: {  	s10 =	sld [smem:$0x3FB5];
	_ =	sdelay $0x3  }
0x36: {  	p1 =	seq.s32 s10, $0x1;
	s10 =	sld [smem:$0x3FB6];
	_ =	sdelay $0x3  }
0x37: {  	[smem:$0x3FB6] =	sst s10  }
0x38: {  	s10 =	sld [smem:$0x3FB7]  }
0x39: {  	_ = 	snop;
	(pc) =	sbr.ind lr, $3  }
0x3a: {  	_ = 	snop  }
0x3b: {  	_ = 	snop  }
0x3c: {  	p2 =	seq.s32 s10, $0x1;
	s10 =	sld [smem:$0x3FB6]  }
0x3d: {  	_ =	shalt  }
0x3e: {  	_ =	shalt  }
0x3f: {  	_ =	shalt  }
0x40: {  	_ =	shalt  }
0x41: {  	_ =	shalt  }
0x42: {  	_ =	shalt  }
0x43: {  	_ =	shalt  }
0x44: {  	_ =	shalt  }
0x45: {  	_ =	shalt  }
0x46: {  	_ =	shalt  }
0x47: {  	_ =	shalt  }
0x48: {  	_ =	shalt  }
0x49: {  	_ =	shalt  }
0x4a: {  	_ =	shalt  }
0x4b: {  	_ =	shalt  }
0x4c: {  	_ =	shalt  }
0x4d: {  	_ =	shalt  }
0x4e: {  	_ =	shalt  }
0x4f: {  	_ =	shalt  }
0x50: {  	_ =	shalt  }
0x51: {  	_ =	shalt  }
0x52: {  	_ =	shalt  }
0x53: {  	_ =	shalt  }
0x54: {  	_ =	shalt  }
0x55: {  	_ =	shalt  }
0x56: {  	_ =	shalt  }
0x57: {  	_ =	shalt  }
0x58: {  	_ =	shalt  }
0x59: {  	_ =	shalt  }
0x5a: {  	_ =	shalt  }
0x5b: {  	_ =	shalt  }
0x5c: {  	_ =	shalt  }
0x5d: {  	_ =	shalt  }
0x5e: {  	_ =	shalt  }
0x5f: {  	_ =	shalt  }
0x60: {  	_ =	shalt  }
0x61: {  	_ =	shalt  }
0x62: {  	_ =	shalt  }
0x63: {  	_ =	shalt  }
0x64: {  	_ =	shalt  }
0x65: {  	_ =	shalt  }
0x66: {  	_ =	shalt  }
0x67: {  	_ =	shalt  }
0x68: {  	_ =	shalt  }
0x69: {  	_ =	shalt  }
0x6a: {  	_ =	shalt  }
0x6b: {  	_ =	shalt  }
0x6c: {  	_ =	shalt  }
0x6d: {  	_ =	shalt  }
0x6e: {  	_ =	shalt  }
0x6f: {  	_ =	shalt  }
0x70: {  	_ =	shalt  }
0x71: {  	_ =	shalt  }
0x72: {  	_ =	shalt  }
0x73: {  	_ =	shalt  }
0x74: {  	_ =	shalt  }
0x75: {  	_ =	shalt  }
0x76: {  	_ =	shalt  }
0x77: {  	_ =	shalt  }
0x78: {  	_ =	shalt  }
0x79: {  	_ =	shalt  }
0x7a: {  	_ =	shalt  }
0x7b: {  	_ =	shalt  }
0x7c: {  	_ =	shalt  }
0x7d: {  	_ =	shalt  }
0x7e: {  	_ =	shalt  }
0x7f: {  	_ =	shalt  }
0x80: {  	_ =	shalt  }
0x81: {  	_ =	shalt  }
0x82: {  	_ =	shalt  }
0x83: {  	_ =	shalt  }
0x84: {  	_ =	shalt  }
0x85: {  	_ =	shalt  }
0x86: {  	_ =	shalt  }
0x87: {  	_ =	shalt  }
.Lfunc_end0:
.L_simem_size_0:
called_computation_lowered:
.L_overlay_start_0:
0x88: {  	s2 =	sld [smem:$0x3FD9]  }
0x89: {  	s3 =	sld [smem:$0x3FFE];
	_ =	sdelay $0x1  }
0x8a: {  	s1 =	srdreg.scid  }
0x8b: {  	s0 =	sand.u32 $0x1, s1  }
0x8c: {  	s17 =	sshll.u32 s0, $0xA;
	s2 =	sadd.s32 s3, s2  }
0x8d: {  	s2 =	sadd.s32 s2, s17  }
0x8e: {  	[smem:$0x3FC2] =	sst s2  }
0x8f: {  	_ = 	snop  }
0x90: {  	s2 =	sld [smem:$0x3FC7]  }
0x91: {  	s18 =	sld [smem:$0x3FC6]  }
0x92: {  	s4 =	sld [smem:$0x3FC5]  }
0x93: {  	s5 =	sld [smem:$0x3FC4]  }
0x94: {  	s6 =	sld [smem:$0x3FD0];
	(tm) =	ssettm $0x1  }
0x95: {  	s7 =	sld [smem:$0x3FFB];
	_ =	sdelay $0x3  }
0x96: {  	_ =	strace s7  }
0x97: {  	s7 =	sld [smem:$0x3FFC];
	_ =	sdelay $0x3  }
0x98: {  	_ =	strace s7  }
0x99: {  	s7 =	sld [smem:$0x3FFD];
	_ =	sdelay $0x3  }
0x9a: {  	_ =	strace s7  }
0x9b: {  	_ =	strace $0x8FFFFFFF  }
0x9c: {  	s19 =	sld [smem:$0x3FDB];
	_ =	sdelay $0x1  }
0x9d: {  	s8 =	simm.s32 $_scs_section_size  }
0x9e: {  	s9 =	simm.s32 $_size__tile_overlayer_lowered;
	s10 =	simm.s32 $_tile_overlayer_lowered  }
0x9f: {  	s22 =	simm.s32 $0x1BFF;
	s21 =	sshll.u32 s10, $0x1;
	s7 =	sadd.s32 s8, s19  }
0xa0: {  	s11 =	simm.s32 $0x0;
	s20 =	sshll.u32 s9, $0x1;
	s9 =	sadd.s32 s21, s7  }
0xa1: {  	[timem:s11], [sflag:s22] =	dma.local [hbm:s9], s20  }
0xa2: {  	_ =	swait.ge [sflag:s22], s20  }
0xa3: {  	s8 =	ssub.s32 $0x0, s20;
	[sflag:s22] =	ssyncset.done $0x0  }
0xa4: {  	[sflag:s22] =	ssyncadd.s32 s8;
	_ =	sdelay $0x1  }
0xa5: {  	s23 =	simm.s32 $0x1B8B  }
0xa6: {  	_ =	swait.ge [sflag:s23], $0x1  }
0xa7: {  	[sflag:s23] =	ssyncset.done $0x0  }
0xa8: {  	s25 =	simm.s32 $0x1B8E;
	s24 =	sld [smem:$0x3FFE];
	[sflag:s23] =	ssyncadd.s32 $0xFFFFFFFF  }
0xa9: {  	s26 =	simm.s32 $execute0_lowered;
	[smem:$0x3FD2] =	sst s25  }
0xaa: {  	s9 =	sshll.u32 s26, $0x1;
	_ =	strace $0x80000046;
	[dreg:$0x1] =	wrdreg $0xFFFFFFFF  }
0xab: {  	s28 =	simm.s32 $_size_execute0_lowered;
	s7 =	sadd.s32 s7, s9;
	[dreg:$0x0] =	wrdreg $0x0  }
0xac: {  	s9 =	sshll.u32 s28, $0x1;
	[dreg:$0x2] =	wrdreg s7  }
0xad: {  	[dreg:$0x3] =	wrdreg s9  }
0xae: {  	[dreg:$0x4] =	wrdreg $0xC0  }
0xaf: {  	_ =	task [dreg:s11], $0x5FFFF  }
0xb0: {  	[dreg:$0x1] =	wrdreg $0xFFFFFFFF  }
0xb1: {  	[dreg:$0x0] =	wrdreg $0x60  }
0xb2: {  	[dreg:$0x2] =	wrdreg s24  }
0xb3: {  	[dreg:$0x3] =	wrdreg s2  }
0xb4: {  	[dreg:$0x4] =	wrdreg s18  }
0xb5: {  	[dreg:$0x5] =	wrdreg s4  }
0xb6: {  	[dreg:$0x6] =	wrdreg s5  }
0xb7: {  	[dreg:$0x7] =	wrdreg s6  }
0xb8: {  	[dreg:$0x8] =	wrdreg $0x9  }
0xb9: {  	_ =	task.clear_ibuf [dreg:s11], $0x9FFFF;
	_ =	strace $0x90000046  }
0xba: {  	s29 =	simm.s32 $0x9;
	_ =	strace $0x80000048  }
0xbb: {  	_ =	swait.ge [sflag:s29], $0x1  }
0xbc: {  	[sflag:s29] =	ssyncadd.s32 $0xFFFFFFFF  }
0xbd: {  	_ =	strace $0x90000048  }
0xbe: {  	_ =	sfence  }
0xbf: {  	s30 =	sld [smem:$0x0];
	_ =	sdelay $0x2  }
0xc0: {  	s31 =	sshll.u32 s1, $0xD;
	s1 =	sshrl.u32 s1, $0x2  }
0xc1: {  	s3 =	sand.u32 $0x4000, s31;
	s1 =	sadd.s32 s1, s30  }
0xc2: {  	s0 =	sor.u32 s3, s0;
	s1 =	sshll.u32 s1, $0x11  }
0xc3: {  	s0 =	sor.u32 s1, s0  }
0xc4: {  	s0 =	sadd.s32 $0x8F2B, s0  }
0xc5: {  	[sflag:s0] =	ssyncadd.remote.s32 $0x1  }
0xc6: {  	_ =	sfence.sel $0xFFFF  }
0xc7: {  	[dreg:$0x0] =	wrdreg $0xFFFFFFFF;
	(pc) =	sbr.abs _section_cstart, $3  }
0xc8: {  	[dreg:$0x1] =	wrdreg $0xFFFFFFFF  }
0xc9: {  	_ =	task.clear_ibuf [dreg:s11], $0x2FFFF;
	_ =	strace $0x9FFFFFFF  }
0xca: {  	(tm) =	ssettm $0x7FFFFFFF  }
0xcb: {  	_ =	shalt  }
tec
execute0_lowered:
.L_overlay_start_1:
0x0: {  	(tag) =	ssettag $0x1  }
0x1: {  	s0 =	rddreg [dreg:$0x0]  }
0x2: {  	s1 =	rddreg [dreg:$0x1]  }
0x3: {  	s4 =	rddreg [dreg:$0x2]  }
0x4: {  	s5 =	rddreg [dreg:$0x3]  }
0x5: {  	s10 =	stileid.u32;
	s6 =	rddreg [dreg:$0x4]  }
0x6: {  	s3 =	srdreg.scid;
	s2 =	rddreg [dreg:$0x5]  }
0x7: {  	s14 =	simm.s32 $0x800;
	s15 =	simm.s32 $0xC00;
	s16 =	simm.s32 $0xC400  }
0x8: {  	s17 =	simm.s32 $0x17C00;
	s18 =	simm.s32 $0x2000;
	s19 =	simm.s32 $0x17E00  }
0x9: {  	s20 =	simm.s32 $0x19E00;
	s21 =	simm.s32 $0x1;
	s22 =	simm.s32 $0x2  }
0xa: {  	s23 =	simm.s32 $0x0;
	s7 =	sshll.u32 s10, $0x1;
	s8 =	sand.u32 $0x1, s3  }
0xb: {  	s3 =	simm.s32 $0x0;
	s10 =	sshrl.u32 s10, $0x1;
	s7 =	sand.u32 $0x2, s7  }
0xc: {  	[smem:$0x7FF] =	sst s3;
	s11 =	sshll.u32 s10, $0x7;
	s10 =	sshll.u32 s10, $0x14  }
0xd: {  	v23 =	vlaneseq.u32;
	s9 =	sor.u32 s8, s7;
	_ =	strace $0x80000047;
	s8 =	ssub.s32 $0x2, s8  }
0xe: {  	v1 =	vor.u32 $0x10, v23;
	v2 =	vor.u32 $0x20, v23;
	v3 =	vor.u32 $0x30, v23;
	s4 =	sadd.s32 s4, s11;
	s5 =	sadd.s32 s5, s11;
	s6 =	sadd.s32 s6, s11  }
0xf: {  	v4 =	vor.u32 $0x40, v23;
	v5 =	vor.u32 $0x50, v23;
	v6 =	vor.u32 $0x60, v23;
	s7 =	smul.u32 $0x1700, s9;
	s29 =	sshrl.u32 s8, $0x1;
	s30 =	sshll.u32 s9, $0x6  }
0x10: {  	v7 =	vor.u32 $0x70, v23;
	v8 =	vor.u32 $0x400, v23;
	v9 =	vor.u32 $0x410, v23;
	s31 =	sshll.u32 s9, $0xB;
	s12 =	ssub.s32 s8, s29;
	s9 =	sadd.s32 s1, s30  }
0x11: {  	v10 =	vor.u32 $0x420, v23;
	v11 =	vor.u32 $0x430, v23;
	v12 =	vor.u32 $0x440, v23;
	s10 =	sor.u32 s31, s10;
	s0 =	sadd.s32 s7, s0;
	s11 =	smax.u32 s12, $0x1  }
0x12: {  	v13 =	vor.u32 $0x450, v23;
	v14 =	vor.u32 $0x460, v23;
	v15 =	vor.u32 $0x470, v23;
	s12 =	simm.s32 $0x3;
	s7 =	sadd.s32 $0x400, s0;
	s8 =	sadd.s32 $0x6000, s0  }
.LBB2_1:
0x13: {  	[tilespmem:s3], [sflag:$0x3] =	stream.linear.gather [hbm4b:s4+s3], $0x400, $0x38;
	[tilespmem:$0x1BE00] =	vst v63  }
0x14: {  	_ =	swait.ge [sflag:s12], $0x400  }
0x15: {  	[sflag:s12] =	ssyncset.done $0x0  }
0x16: {  	s0 =	simm.s32 $0x400;
	[sflag:s12] =	ssyncadd.s32 $0xFFFFFC00  }
0x17: {  	[tilespmem:s0], [sflag:$0x3] =	stream.linear.gather [hbm4b:s5+s3], $0x400, $0x38;
	[tilespmem:$0x1BE00] =	vst v63  }
0x18: {  	_ =	swait.ge [sflag:s12], $0x400  }
0x19: {  	[sflag:s12] =	ssyncset.done $0x0  }
0x1a: {  	[sflag:s12] =	ssyncadd.s32 $0xFFFFFC00  }
0x1b: {  	[tilespmem:s14], [sflag:$0x3] =	stream.linear.gather [hbm4b:s6+s3], $0x400, $0x38;
	[tilespmem:$0x1BE00] =	vst v63  }
0x1c: {  	_ =	swait.ge [sflag:s12], $0x400  }
0x1d: {  	[sflag:s12] =	ssyncset.done $0x0  }
0x1e: {  	[sflag:s12] =	ssyncadd.s32 $0xFFFFFC00  }
0x1f: {  	[tilespmem:s15], [sflag:$0x3] =	stream.linear.gather [hbm4b:s7+s3], $0xB800, $0x38;
	[tilespmem:$0x1BE00] =	vst v63  }
0x20: {  	_ =	swait.ge [sflag:s12], $0xB800  }
0x21: {  	[sflag:s12] =	ssyncset.done $0x0  }
0x22: {  	[sflag:s12] =	ssyncadd.s32 $0xFFFF4800  }
0x23: {  	[tilespmem:s16], [sflag:$0x3] =	stream.linear.gather [hbm4b:s8+s3], $0xB800, $0x38;
	[tilespmem:$0x1BE00] =	vst v63  }
0x24: {  	_ =	swait.ge [sflag:s12], $0xB800  }
0x25: {  	[sflag:s12] =	ssyncset.done $0x0  }
0x26: {  	[sflag:s12] =	ssyncadd.s32 $0xFFFF4800  }
0x27: {  	[tilespmem:s17], [sflag:$0x3] =	stream.linear.gather [hbm4b:s9+s3], $0x200, $0x38;
	[tilespmem:$0x1BE00] =	vst v63  }
0x28: {  	_ =	swait.ge [sflag:s12], $0x200  }
0x29: {  	[sflag:s12] =	ssyncset.done $0x0  }
0x2a: {  	[sflag:s12] =	ssyncadd.s32 $0xFFFFFE00  }
0x2b: {  	v0 =	vld [tilespmem:$0x17C00];
	_ =	sdelay $0x4  }
0x2c: {  	[tilespmem:$0x1FE20] =	vst v0;
	v0 =	vld [tilespmem:$0x17C50];
	_ =	sdelay $0x4  }
0x2d: {  	[tilespmem:$0x1FE30] =	vst v0;
	v0 =	vld [tilespmem:$0x17D00];
	_ =	sdelay $0x3  }
0x2e: {  	v19 =	vld [tilespmem:$0x17C20]  }
0x2f: {  	[tilespmem:$0x1FE40] =	vst v0;
	v0 =	vld [tilespmem:$0x17D20]  }
0x30: {  	v18 =	vld [tilespmem:$0x17C40]  }
0x31: {  	v20 =	vld [tilespmem:$0x17C70]  }
0x32: {  	v17 =	vld [tilespmem:$0x17D10]  }
0x33: {  	v43 =	vld [tilespmem:$0x17D30];
	[tilespmem:$0x1FEA0] =	vst v19  }
0x34: {  	[tilespmem:$0x1FE50] =	vst v0;
	v0 =	vld [tilespmem:$0x17D50]  }
0x35: {  	v37 =	vld [tilespmem:$0x17D40];
	[tilespmem:$0x1FEB0] =	vst v18  }
0x36: {  	v32 =	vld [tilespmem:$0x17D60];
	[tilespmem:$0x1FEC0] =	vst v20  }
0x37: {  	v30 =	vld [tilespmem:$0x17D70];
	[tilespmem:$0x1FED0] =	vst v17  }
0x38: {  	v24 =	vld [tilespmem:$0x17CA0];
	[tilespmem:$0x1FEE0] =	vst v43  }
0x39: {  	[tilespmem:$0x1FE60] =	vst v0;
	v0 =	vld [tilespmem:$0x17C90]  }
0x3a: {  	v27 =	vld [tilespmem:$0x17CC0];
	[tilespmem:$0x1FEF0] =	vst v37  }
0x3b: {  	v26 =	vld [tilespmem:$0x17CF0];
	[tilespmem:$0x1FF00] =	vst v32  }
0x3c: {  	v41 =	vld [tilespmem:$0x17C80];
	[tilespmem:$0x1FF10] =	vst v30  }
0x3d: {  	v46 =	vld [tilespmem:$0x17CD0];
	[tilespmem:$0x1FF20] =	vst v24  }
0x3e: {  	[tilespmem:$0x1FE70] =	vst v0;
	v0 =	vld [tilespmem:$0x17CB0]  }
0x3f: {  	v34 =	vld [tilespmem:$0x17DE0];
	[tilespmem:$0x1FF30] =	vst v27  }
0x40: {  	v16 =	vld [tilespmem:$0x17DD0];
	[tilespmem:$0x1FF40] =	vst v26  }
0x41: {  	v21 =	vld [tilespmem:$0x17DB0];
	[tilespmem:$0x1FF50] =	vst v41  }
0x42: {  	v22 =	vld [tilespmem:$0x17DC0];
	[tilespmem:$0x1FF60] =	vst v46  }
0x43: {  	[tilespmem:$0x1FE80] =	vst v0;
	v0 =	vld [tilespmem:$0x17CE0]  }
0x44: {  	v31 =	vld [tilespmem:$0x17DA0];
	[tilespmem:$0x1FF70] =	vst v34  }
0x45: {  	v39 =	vld [tilespmem:$0x17D90];
	[tilespmem:$0x1FF90] =	vst v16  }
0x46: {  	v48 =	vld [tilespmem:$0x17D80];
	[tilespmem:$0x1FFA0] =	vst v21  }
0x47: {  	v25 =	vld [tilespmem:$0x17C10];
	[tilespmem:$0x1FFB0] =	vst v22  }
0x48: {  	[tilespmem:$0x1FE90] =	vst v0;
	v0 =	vld [tilespmem:$0x17DF0]  }
0x49: {  	[tilespmem:$0x1FFC0] =	vst v31  }
0x4a: {  	[tilespmem:$0x1FFD0] =	vst v39  }
0x4b: {  	[tilespmem:$0x1FFE0] =	vst v48  }
0x4c: {  	v29 =	vld [tilespmem:$0x17C30];
	[tilespmem:$0x1FFF0] =	vst v25  }
0x4d: {  	s24 =	simm.s32 $0x0;
	v45 =	vld [tilespmem:$0x17C60];
	[tilespmem:$0x1FF80] =	vst v0  }
.LBB2_2:
0x4e: {  	p0 =	seq.s32 s24, $0x0  }
0x4f: {  	s0 =	simm.s32 @!p0 $0x1  }
0x50: {  	_ =	swait.ge @!p0 [sflag:s0], $0x2000  }
0x51: {  	s25 =	sshll.u32 s24, $0x6;
	s26 =	simm.s32 $0x0;
	[sflag:s0] =	ssyncset.done @!p0 $0x0  }
0x52: {  	p2 =	por $0x1, $0x1;
	[sflag:s0] =	ssyncadd.s32 @!p0 $0xFFFFE000;
	s0 =	simm.s32 $0x0  }
.LBB2_3:
0x53: {  	s1 =	sor.u32 s25, s0  }
0x54: {  	v49 =	vld [tilespmem:s1+$0x0]  }
0x55: {  	v50 =	vld [tilespmem:s1+$0x400];
	_ =	sdelay $0x3  }
0x56: {  	v0 =	vmov s26  }
0x57: {  	v16 =	vperm.xlane v49, v0;
	v48 =	vperm.xlane v50, v0;
	_ =	sdelay $0x1  }
0x58: {  	v51 =	vshll.u32 v16, $0x8;
	v16 =	vshll.u32 v16, $0x7;
	v52 =	vshll.u32 v48, $0x7  }
0x59: {  	v53 =	vshll.u32 v48, $0x8;
	v51 =	vand.u32 $0xFFFFF800, v51;
	v16 =	vand.u32 $0x380, v16  }
0x5a: {  	v52 =	vand.u32 $0x380, v52;
	v48 =	vor.u32 v16, v51;
	v16 =	vand.u32 $0xFFFFF800, v53  }
0x5b: {  	v51 =	vor.u32 v52, v16;
	v16 =	vor.u32 v23, v48  }
0x5c: {  	v54 =	vor.u32 v1, v48  }
0x5d: {  	v35 =	vld [tilespmem:$0x1FE70];
	v55 =	vor.u32 v7, v48  }
0x5e: {  	v38 =	vld [tilespmem:$0x1FF60];
	v57 =	vor.u32 v5, v48  }
0x5f: {  	v52 =	vld [tilespmem:s1+$0x800];
	v59 =	vor.u32 v6, v48  }
0x60: {  	v39 =	vor.u32 v1, v51;
	v21 =	vld.idx.msk [tilespmem:v16+s15+$0x0], $0xffff  }
0x61: {  	v56 =	vor.u32 v6, v51;
	v60 =	vld.idx.msk [tilespmem:v54+s15+$0x0], $0xffff  }
0x62: {  	v58 =	vor.u32 v7, v51;
	v22 =	vld.idx.msk [tilespmem:v55+s15+$0x0], $0xffff  }
0x63: {  	v61 =	vor.u32 v23, v51;
	v53 =	vld.idx.msk [tilespmem:v57+s15+$0x0], $0xffff  }
0x64: {  	v40 =	vor.u32 v4, v51;
	v42 =	vld.idx.msk [tilespmem:v59+s15+$0x0], $0xffff  }
0x65: {  	v63 =	vor.u32 v4, v48;
	v28 =	vld.idx.msk [tilespmem:v39+s16+$0x0], $0xffff  }
0x66: {  	v41 =	vor.u32 v2, v51;
	v33 =	vld.idx.msk [tilespmem:v56+s16+$0x0], $0xffff  }
0x67: {  	v44 =	vor.u32 v5, v51;
	v62 =	vld.idx.msk [tilespmem:v58+s16+$0x0], $0xffff  }
0x68: {  	v46 =	vor.u32 v3, v48;
	v31 =	vld.idx.msk [tilespmem:v61+s16+$0x0], $0xffff  }
0x69: {  	v59 =	vld.idx.msk [tilespmem:v40+s16+$0x0], $0xffff  }
0x6a: {  	v61 =	vld.idx.msk [tilespmem:v63+s15+$0x0], $0xffff  }
0x6b: {  	v16 =	vor.u32 v2, v48;
	v57 =	vld.idx.msk [tilespmem:v41+s16+$0x0], $0xffff  }
0x6c: {  	v55 =	vld.idx.msk [tilespmem:v44+s16+$0x0], $0xffff  }
0x6d: {  	v36 =	vor.u32 v3, v51;
	v0 =	vperm.xlane v52, v0;
	v58 =	vld.idx.msk [tilespmem:v46+s15+$0x0], $0xffff  }
0x6e: {  	v39 =	vld [tilespmem:$0x1FE90]  }
0x6f: {  	v40 =	vld [tilespmem:$0x1FE20];
	vm0 =	veq.s32 v0, $0x0  }
0x70: {  	vm0 =	vmmov vm0;
	v0 =	vadd.f32 v28, v60;
	v60 =	vld.idx.msk [tilespmem:v16+s15+$0x0], $0xffff  }
0x71: {  	v16 =	vsel vm0, v25, v35;
	v25 =	vadd.f32 v33, v42;
	v33 =	vld [tilespmem:$0x1FF50]  }
0x72: {  	v54 =	vadd.f32 v62, v22;
	v62 =	vld.idx.msk [tilespmem:v36+s16+$0x0], $0xffff  }
0x73: {  	v46 =	vmov v45;
	v47 =	vsel vm0, v45, v39;
	v45 =	vld [tilespmem:$0x1FE30]  }
0x74: {  	v28 =	vld [tilespmem:$0x1FE50]  }
0x75: {  	s28 =	sshll.u32 s0, $0x8;
	v36 =	vld [tilespmem:$0x1FE80]  }
0x76: {  	s31 =	sand.u32 $0x380, s26;
	p1 =	por p2, p2;
	s0 =	sand.u32 $0x1800, s28;
	v63 =	vadd.f32 v25, v47;
	v25 =	vld [tilespmem:$0x1FE40]  }
0x77: {  	s29 =	simm.s32 $0x1;
	s30 =	simm.s32 $0x0;
	s0 =	sor.u32 s31, s0;
	v41 =	vmovc v17;
	v56 =	vadd.f32 v0, v16;
	v0 =	vadd.f32 v31, v21;
	v31 =	vld [tilespmem:$0x1FE60];
	v16 =	vsel vm0, v40, v33  }
.LBB2_4:
0x78: {  	_ =	sdelay $0x2  }
0x79: {  	v0 =	vadd.f32 v0, v16;
	v16 =	vadd.f32 v59, v61  }
0x7a: {  	v44 =	vsel vm0, v18, v27;
	v57 =	vadd.f32 v57, v60  }
0x7b: {  	s31 =	sadd.s32 $0x17E00, s0;
	[tilespmem:s0+$0x17E00] =	vst v0;
	v0 =	vsel vm0, v19, v24;
	v16 =	vadd.f32 v16, v44  }
0x7c: {  	[tilespmem:s31+$0x60] =	vst v63;
	v0 =	vadd.f32 v57, v0  }
0x7d: {  	v47 =	vsel vm0, v45, v38;
	v21 =	vld [tilespmem:$0x1FF80];
	v53 =	vadd.f32 v55, v53;
	v60 =	vsel vm0, v20, v26;
	[tilespmem:s31+$0x40] =	vst v16  }
0x7e: {  	v54 =	vadd.f32 v54, v60;
	v16 =	vadd.f32 v62, v58;
	[tilespmem:s31+$0x20] =	vst v0;
	v0 =	vor.u32 v8, v48  }
0x7f: {  	[tilespmem:s31+$0x10] =	vst v56;
	v61 =	vsel vm0, v29, v36;
	v53 =	vadd.f32 v53, v47;
	v62 =	vor.u32 v8, v51  }
0x80: {  	v63 =	vor.u32 v9, v48;
	[tilespmem:s31+$0x70] =	vst v54;
	v16 =	vadd.f32 v16, v61  }
0x81: {  	v42 =	vor.u32 v10, v48;
	v17 =	vld [tilespmem:$0x1FFE0];
	[tilespmem:s31+$0x50] =	vst v53  }
0x82: {  	v60 =	vsel vm0, v30, v21;
	v21 =	vld [tilespmem:$0x1FFC0];
	v44 =	vor.u32 v10, v51;
	[tilespmem:s31+$0x30] =	vst v16  }
0x83: {  	v47 =	vor.u32 v11, v48;
	v0 =	vld.idx.msk [tilespmem:v0+s15+$0x0], $0xffff  }
0x84: {  	v16 =	vor.u32 v9, v51;
	v55 =	vld.idx.msk [tilespmem:v62+s16+$0x0], $0xffff  }
0x85: {  	v58 =	vor.u32 v11, v51;
	v54 =	vld.idx.msk [tilespmem:v63+s15+$0x0], $0xffff  }
0x86: {  	v53 =	vld.idx.msk [tilespmem:v42+s15+$0x0], $0xffff  }
0x87: {  	v59 =	vor.u32 v12, v48;
	v56 =	vld.idx.msk [tilespmem:v44+s16+$0x0], $0xffff  }
0x88: {  	v44 =	vor.u32 v12, v51;
	v57 =	vld.idx.msk [tilespmem:v47+s15+$0x0], $0xffff  }
0x89: {  	v16 =	vld.idx.msk [tilespmem:v16+s16+$0x0], $0xffff;
	v0 =	vadd.f32 v55, v0  }
0x8a: {  	v17 =	vsel vm0, v25, v17;
	v42 =	vor.u32 v15, v48;
	v55 =	vld.idx.msk [tilespmem:v58+s16+$0x0], $0xffff  }
0x8b: {  	v58 =	vor.u32 v13, v48;
	v0 =	vadd.f32 v0, v17;
	v17 =	vld [tilespmem:$0x1FFD0]  }
0x8c: {  	v59 =	vld.idx.msk [tilespmem:v59+s15+$0x0], $0xffff;
	v63 =	vor.u32 v15, v51  }
0x8d: {  	v47 =	vor.u32 v13, v51;
	v61 =	vld.idx.msk [tilespmem:v44+s16+$0x0], $0xffff  }
0x8e: {  	v62 =	vsel vm0, v28, v21;
	v21 =	vld [tilespmem:$0x1FFA0]  }
0x8f: {  	v48 =	vor.u32 v14, v48;
	v16 =	vadd.f32 v16, v54;
	v54 =	vld.idx.msk [tilespmem:v42+s15+$0x0], $0xffff  }
0x90: {  	s1 =	smov.u32 s29;
	v51 =	vor.u32 v14, v51;
	v58 =	vld.idx.msk [tilespmem:v58+s15+$0x0], $0xffff;
	v55 =	vadd.f32 v55, v57;
	v17 =	vsel vm0, v41, v17  }
0x91: {  	v57 =	vld.idx.msk [tilespmem:v63+s16+$0x0], $0xffff;
	v16 =	vadd.f32 v16, v17;
	v17 =	vadd.f32 v56, v53;
	v56 =	vmov s1  }
0x92: {  	v44 =	vmovc v18;
	v42 =	vmov v19;
	v59 =	vadd.f32 v61, v59;
	v53 =	vld.idx.msk [tilespmem:v47+s16+$0x0], $0xffff;
	v19 =	vperm.xlane v49, v56  }
0x93: {  	v18 =	vld [tilespmem:$0x1FFB0];
	v47 =	vmovc v20;
	v20 =	vperm.xlane v50, v56;
	v17 =	vadd.f32 v17, v62;
	v62 =	vsel vm0, v43, v21  }
0x94: {  	v61 =	vld.idx.msk [tilespmem:v48+s15+$0x0], $0xffff;
	v63 =	vshll.u32 v19, $0x8;
	v19 =	vshll.u32 v19, $0x7;
	v55 =	vadd.f32 v55, v62  }
0x95: {  	v62 =	vld.idx.msk [tilespmem:v51+s16+$0x0], $0xffff;
	[tilespmem:s31+$0x400] =	vst v0;
	v0 =	vshll.u32 v20, $0x8;
	v51 =	vand.u32 $0xFFFFF800, v63;
	v63 =	vshll.u32 v20, $0x7  }
0x96: {  	v19 =	vand.u32 $0x380, v19;
	v0 =	vand.u32 $0xFFFFF800, v0;
	v63 =	vand.u32 $0x380, v63  }
0x97: {  	v48 =	vor.u32 v19, v51;
	v51 =	vor.u32 v63, v0;
	v0 =	vld [tilespmem:$0x1FF90];
	_ =	sdelay $0x2  }
0x98: {  	v18 =	vsel vm0, v37, v18  }
0x99: {  	v18 =	vadd.f32 v59, v18;
	v19 =	vadd.f32 v53, v58  }
0x9a: {  	v0 =	vsel vm0, v31, v0  }
0x9b: {  	[tilespmem:s31+$0x440] =	vst v18;
	v0 =	vadd.f32 v19, v0  }
0x9c: {  	[tilespmem:s31+$0x420] =	vst v17;
	v17 =	vadd.f32 v57, v54  }
0x9d: {  	v56 =	vperm.xlane v52, v56;
	v18 =	vor.u32 v23, v48;
	[tilespmem:s31+$0x450] =	vst v0;
	v0 =	vadd.f32 v62, v61  }
0x9e: {  	[tilespmem:s31+$0x410] =	vst v16;
	v17 =	vadd.f32 v17, v60;
	v63 =	vsel vm0, v32, v34;
	v19 =	vor.u32 v1, v51  }
0x9f: {  	[tilespmem:s31+$0x430] =	vst v55;
	v20 =	vor.u32 v1, v48;
	v0 =	vadd.f32 v0, v63  }
0xa0: {  	vm1 =	veq.s32 v56, $0x0;
	v56 =	vor.u32 v7, v48;
	[tilespmem:s31+$0x470] =	vst v17  }
0xa1: {  	v55 =	vor.u32 v6, v51;
	[tilespmem:s31+$0x460] =	vst v0  }
0xa2: {  	v53 =	vor.u32 v5, v48;
	v0 =	vld.idx.msk [tilespmem:v18+s15+$0x0], $0xffff  }
0xa3: {  	v54 =	vor.u32 v7, v51;
	v18 =	vld.idx.msk [tilespmem:v19+s16+$0x0], $0xffff  }
0xa4: {  	v17 =	vor.u32 v23, v51;
	v20 =	vld.idx.msk [tilespmem:v20+s15+$0x0], $0xffff  }
0xa5: {  	v19 =	vor.u32 v6, v48;
	v62 =	vld.idx.msk [tilespmem:v56+s15+$0x0], $0xffff  }
0xa6: {  	v21 =	vld.idx.msk [tilespmem:v55+s16+$0x0], $0xffff  }
0xa7: {  	v57 =	vor.u32 v4, v51;
	v53 =	vld.idx.msk [tilespmem:v53+s15+$0x0], $0xffff  }
0xa8: {  	v60 =	vor.u32 v4, v48;
	v54 =	vld.idx.msk [tilespmem:v54+s16+$0x0], $0xffff  }
0xa9: {  	v55 =	vor.u32 v2, v51;
	v17 =	vld.idx.msk [tilespmem:v17+s16+$0x0], $0xffff  }
0xaa: {  	v58 =	vor.u32 v5, v51;
	v19 =	vld.idx.msk [tilespmem:v19+s15+$0x0], $0xffff  }
0xab: {  	v22 =	vor.u32 v3, v48;
	v18 =	vadd.f32 v18, v20;
	v20 =	vld [tilespmem:$0x1FFF0]  }
0xac: {  	v63 =	vor.u32 v3, v51;
	v59 =	vld.idx.msk [tilespmem:v57+s16+$0x0], $0xffff  }
0xad: {  	p2 =	sne.s32 s29, $0xF;
	v16 =	vor.u32 v2, v48;
	v61 =	vld.idx.msk [tilespmem:v60+s15+$0x0], $0xffff  }
.Ltmp0:
0xae: {  	v57 =	vld.idx.msk [tilespmem:v55+s16+$0x0], $0xffff;
	(pc) =	sbr.rel @p2 .LBB2_4-.Ltmp0, $4  }
0xaf: {  	vm0 =	vmmov vm1;
	v54 =	vadd.f32 v54, v62;
	v55 =	vld.idx.msk [tilespmem:v58+s16+$0x0], $0xffff  }
0xb0: {  	s30 =	sadd.s32 $0x80, s30;
	s28 =	sadd.s32 $0x100, s28;
	v0 =	vadd.f32 v17, v0;
	v58 =	vld.idx.msk [tilespmem:v22+s15+$0x0], $0xffff;
	v60 =	vsel vm0, v20, v35;
	v21 =	vadd.f32 v21, v19  }
0xb1: {  	s13 =	sand.u32 $0x1800, s28;
	s31 =	sand.u32 $0x380, s30;
	v17 =	vsel vm0, v46, v39;
	v62 =	vld.idx.msk [tilespmem:v63+s16+$0x0], $0xffff;
	v20 =	vmov v47;
	v56 =	vadd.f32 v18, v60  }
0xb2: {  	s29 =	sadd.s32 $0x1, s29;
	s0 =	sor.u32 s31, s13;
	v19 =	vmovc v42;
	v60 =	vld.idx.msk [tilespmem:v16+s15+$0x0], $0xffff;
	v16 =	vsel vm0, v40, v33;
	v18 =	vmov v44;
	v63 =	vadd.f32 v21, v17  }
0xb3: {  	_ =	sdelay $0x2  }
0xb4: {  	v0 =	vadd.f32 v0, v16;
	v16 =	vadd.f32 v59, v61;
	s1 =	sadd.s32 $0x17E00, s0  }
0xb5: {  	v18 =	vsel vm0, v44, v27;
	[tilespmem:s1+$0x60] =	vst v63;
	v17 =	vadd.f32 v57, v60  }
0xb6: {  	v19 =	vsel vm0, v42, v24;
	v61 =	vld [tilespmem:$0x1FFC0];
	v16 =	vadd.f32 v16, v18;
	[tilespmem:s0+$0x17E00] =	vst v0;
	v18 =	vadd.f32 v55, v53  }
0xb7: {  	[tilespmem:s1+$0x10] =	vst v56;
	v0 =	vadd.f32 v17, v19;
	v17 =	vadd.f32 v62, v58;
	v19 =	vsel vm0, v20, v26  }
0xb8: {  	v59 =	vld [tilespmem:$0x1FFD0];
	[tilespmem:s1+$0x40] =	vst v16;
	v16 =	vsel vm0, v29, v36;
	v20 =	vor.u32 v8, v48;
	v19 =	vadd.f32 v54, v19  }
0xb9: {  	v21 =	vsel vm0, v45, v38;
	v22 =	vor.u32 v11, v51;
	v35 =	vld [tilespmem:$0x1FFB0];
	[tilespmem:s1+$0x20] =	vst v0;
	v0 =	vadd.f32 v17, v16  }
0xba: {  	v49 =	vor.u32 v12, v48;
	v33 =	vld [tilespmem:$0x1FF90];
	v17 =	vadd.f32 v18, v21;
	[tilespmem:s1+$0x70] =	vst v19  }
0xbb: {  	v50 =	vor.u32 v15, v48;
	v62 =	vsel vm0, v28, v61;
	v28 =	vld [tilespmem:$0x1FFA0];
	[tilespmem:s1+$0x30] =	vst v0  }
0xbc: {  	v52 =	vor.u32 v12, v51;
	v56 =	vmov v26;
	v26 =	vld [tilespmem:$0x1FF80];
	[tilespmem:s1+$0x50] =	vst v17  }
0xbd: {  	v39 =	vor.u32 v13, v48;
	v19 =	vld.idx.msk [tilespmem:v20+s15+$0x0], $0xffff  }
0xbe: {  	v22 =	vld.idx.msk [tilespmem:v22+s16+$0x0], $0xffff  }
0xbf: {  	v16 =	vor.u32 v8, v51;
	v49 =	vld.idx.msk [tilespmem:v49+s15+$0x0], $0xffff  }
0xc0: {  	v18 =	vor.u32 v9, v48;
	v50 =	vld.idx.msk [tilespmem:v50+s15+$0x0], $0xffff  }
0xc1: {  	v0 =	vor.u32 v9, v51;
	v52 =	vld.idx.msk [tilespmem:v52+s16+$0x0], $0xffff  }
0xc2: {  	v17 =	vor.u32 v10, v48;
	v54 =	vld.idx.msk [tilespmem:v39+s15+$0x0], $0xffff  }
0xc3: {  	v20 =	vor.u32 v10, v51;
	v39 =	vld [tilespmem:$0x1FFE0]  }
0xc4: {  	v38 =	vor.u32 v13, v51;
	v16 =	vld.idx.msk [tilespmem:v16+s16+$0x0], $0xffff  }
0xc5: {  	v21 =	vor.u32 v11, v48;
	v18 =	vld.idx.msk [tilespmem:v18+s15+$0x0], $0xffff  }
0xc6: {  	v40 =	vor.u32 v15, v51;
	v0 =	vld.idx.msk [tilespmem:v0+s16+$0x0], $0xffff  }
0xc7: {  	v45 =	vor.u32 v14, v51;
	v17 =	vld.idx.msk [tilespmem:v17+s15+$0x0], $0xffff  }
0xc8: {  	v57 =	vor.u32 v14, v48;
	v20 =	vld.idx.msk [tilespmem:v20+s16+$0x0], $0xffff  }
0xc9: {  	v53 =	vld.idx.msk [tilespmem:v38+s16+$0x0], $0xffff  }
0xca: {  	v21 =	vld.idx.msk [tilespmem:v21+s15+$0x0], $0xffff  }
0xcb: {  	v16 =	vadd.f32 v16, v19;
	v19 =	vld.idx.msk [tilespmem:v40+s16+$0x0], $0xffff  }
0xcc: {  	v58 =	vsel vm0, v25, v39;
	v0 =	vadd.f32 v0, v18;
	v18 =	vld.idx.msk [tilespmem:v45+s16+$0x0], $0xffff  }
0xcd: {  	v60 =	vsel vm0, v41, v59;
	v16 =	vadd.f32 v16, v58;
	v17 =	vadd.f32 v20, v17;
	v20 =	vld.idx.msk [tilespmem:v57+s15+$0x0], $0xffff  }
0xce: {  	v49 =	vadd.f32 v52, v49;
	v0 =	vadd.f32 v0, v60  }
0xcf: {  	v63 =	vsel vm0, v37, v35;
	v21 =	vadd.f32 v22, v21;
	[tilespmem:s1+$0x400] =	vst v16;
	v17 =	vadd.f32 v17, v62  }
0xd0: {  	v22 =	vadd.f32 v49, v63;
	v16 =	vsel vm0, v43, v28;
	[tilespmem:s1+$0x410] =	vst v0;
	v0 =	vadd.f32 v53, v54  }
0xd1: {  	v16 =	vadd.f32 v21, v16;
	v19 =	vadd.f32 v19, v50;
	[tilespmem:s1+$0x420] =	vst v17;
	v17 =	vsel vm0, v31, v33  }
.Ltmp1:
0xd2: {  	[tilespmem:s1+$0x440] =	vst v22;
	v21 =	vsel vm0, v30, v26;
	v0 =	vadd.f32 v0, v17;
	v17 =	vadd.f32 v18, v20;
	(pc) =	sbr.rel @p1 .LBB2_3-.Ltmp1, $4  }
0xd3: {  	[tilespmem:s1+$0x430] =	vst v16;
	v16 =	vadd.f32 v19, v21;
	v18 =	vsel vm0, v32, v34  }
0xd4: {  	[tilespmem:s1+$0x450] =	vst v0;
	v0 =	vadd.f32 v17, v18  }
0xd5: {  	v45 =	vmov v46;
	[tilespmem:s1+$0x470] =	vst v16  }
0xd6: {  	p2 =	por $0x0, $0x0;
	s0 =	simm.s32 $0x10;
	v25 =	vld [tilespmem:$0x1FFF0];
	v26 =	vmovc v56;
	v20 =	vmovc v47;
	v19 =	vmov v42;
	v18 =	vmov v44;
	[tilespmem:s1+$0x460] =	vst v0;
	v17 =	vmov v41  }
0xd7: {  	s0 =	sshll.u32 s24, $0x10  }
0xd8: {  	s0 =	sadd.s32 s10, s0  }
0xd9: {  	s0 =	sshrl.u32 s0, $0x3  }
0xda: {  	s0 =	sadd.s32 s2, s0  }
0xdb: {  	[hbm4b:s0+s14] =	stream.strided.scatter [tilespmem:s19], [sflag:$0x1], $0x2000, s18, s14, $0x38;
	[tilespmem:$0x1BE00] =	vst v63  }
0xdc: {  	s0 =	simm.s32 @!p0 $0x2  }
0xdd: {  	_ =	swait.ge @!p0 [sflag:s0], $0x2000  }
0xde: {  	v26 =	vld [tilespmem:$0x1FE20]  }
0xdf: {  	v30 =	vld [tilespmem:$0x1FE30]  }
0xe0: {  	v33 =	vld [tilespmem:$0x1FE40]  }
0xe1: {  	v35 =	vld [tilespmem:$0x1FE50]  }
0xe2: {  	v38 =	vld [tilespmem:$0x1FE60]  }
0xe3: {  	v41 =	vld [tilespmem:$0x1FF50]  }
0xe4: {  	v42 =	vld [tilespmem:$0x1FE70]  }
0xe5: {  	s25 =	sshllo.u32 s24, $0x1;
	v44 =	vld [tilespmem:$0x1FE80]  }
0xe6: {  	s28 =	simm.s32 $0x0;
	p1 =	por $0x1, $0x1;
	[sflag:s0] =	ssyncset.done @!p0 $0x0;
	v46 =	vld [tilespmem:$0x1FF60]  }
0xe7: {  	s26 =	sshll.u32 s25, $0x5;
	v47 =	vld [tilespmem:$0x1FE90];
	[sflag:s0] =	ssyncadd.s32 @!p0 $0xFFFFE000;
	s0 =	simm.s32 $0x0  }
.LBB2_7:
0xe8: {  	s1 =	sor.u32 s26, s0  }
0xe9: {  	v49 =	vld [tilespmem:s1+$0x0]  }
0xea: {  	v50 =	vld [tilespmem:s1+$0x400];
	_ =	sdelay $0x3  }
0xeb: {  	v0 =	vmov s28  }
0xec: {  	v16 =	vperm.xlane v49, v0;
	v17 =	vperm.xlane v50, v0  }
0xed: {  	v27 =	vld [tilespmem:$0x1FEA0]  }
0xee: {  	v28 =	vmovc v29;
	v29 =	vld [tilespmem:$0x1FEB0];
	v18 =	vshll.u32 v16, $0x8;
	v16 =	vshll.u32 v16, $0x7;
	v19 =	vshll.u32 v17, $0x7  }
0xef: {  	v32 =	vld [tilespmem:$0x1FEC0];
	v17 =	vshll.u32 v17, $0x8;
	v18 =	vand.u32 $0xFFFFF800, v18;
	v16 =	vand.u32 $0x380, v16  }
0xf0: {  	v34 =	vld [tilespmem:$0x1FED0];
	v19 =	vand.u32 $0x380, v19;
	v48 =	vor.u32 v16, v18;
	v16 =	vand.u32 $0xFFFFF800, v17  }
0xf1: {  	v36 =	vld [tilespmem:$0x1FEE0];
	v51 =	vor.u32 v19, v16;
	v16 =	vor.u32 v23, v48  }
0xf2: {  	v37 =	vld [tilespmem:$0x1FEF0];
	v18 =	vor.u32 v1, v48  }
0xf3: {  	v39 =	vld [tilespmem:$0x1FF00];
	v19 =	vor.u32 v7, v48  }
0xf4: {  	v40 =	vld [tilespmem:$0x1FF10];
	v21 =	vor.u32 v5, v48  }
0xf5: {  	v52 =	vld [tilespmem:s1+$0x800];
	v54 =	vor.u32 v6, v48  }
0xf6: {  	v57 =	vor.u32 v4, v48;
	v24 =	vld.idx.msk [tilespmem:v16+s15+$0x0], $0xffff  }
0xf7: {  	v17 =	vor.u32 v1, v51;
	v18 =	vld.idx.msk [tilespmem:v18+s15+$0x0], $0xffff  }
0xf8: {  	v20 =	vor.u32 v6, v51;
	v19 =	vld.idx.msk [tilespmem:v19+s15+$0x0], $0xffff  }
0xf9: {  	v22 =	vor.u32 v7, v51;
	v53 =	vld.idx.msk [tilespmem:v21+s15+$0x0], $0xffff  }
0xfa: {  	v55 =	vor.u32 v23, v51;
	v54 =	vld.idx.msk [tilespmem:v54+s15+$0x0], $0xffff  }
0xfb: {  	v56 =	vor.u32 v4, v51;
	v61 =	vld.idx.msk [tilespmem:v57+s15+$0x0], $0xffff  }
0xfc: {  	v43 =	vor.u32 v2, v51;
	v60 =	vld.idx.msk [tilespmem:v17+s16+$0x0], $0xffff  }
0xfd: {  	v62 =	vor.u32 v5, v51;
	v20 =	vld.idx.msk [tilespmem:v20+s16+$0x0], $0xffff  }
0xfe: {  	v22 =	vld.idx.msk [tilespmem:v22+s16+$0x0], $0xffff  }
0xff: {  	v58 =	vor.u32 v2, v48;
	v63 =	vld.idx.msk [tilespmem:v55+s16+$0x0], $0xffff  }
0x100: {  	v16 =	vor.u32 v3, v48;
	v59 =	vld.idx.msk [tilespmem:v56+s16+$0x0], $0xffff  }
0x101: {  	v0 =	vperm.xlane v52, v0;
	v57 =	vld.idx.msk [tilespmem:v43+s16+$0x0], $0xffff  }
0x102: {  	v17 =	vor.u32 v3, v51;
	v55 =	vld.idx.msk [tilespmem:v62+s16+$0x0], $0xffff  }
0x103: {  	vm0 =	veq.s32 v0, $0x0;
	v43 =	vld [tilespmem:$0x1FF20]  }
0x104: {  	vm0 =	vmmov vm0;
	v0 =	vadd.f32 v60, v18;
	v60 =	vld.idx.msk [tilespmem:v58+s15+$0x0], $0xffff  }
0x105: {  	v18 =	vsel vm0, v25, v42;
	v58 =	vld.idx.msk [tilespmem:v16+s15+$0x0], $0xffff  }
0x106: {  	s29 =	sshll.u32 s0, $0x8;
	v31 =	vmovc v45;
	v20 =	vadd.f32 v20, v54;
	v56 =	vadd.f32 v0, v18;
	v18 =	vsel vm0, v45, v47;
	v45 =	vld [tilespmem:$0x1FF30]  }
0x107: {  	s13 =	sand.u32 $0x380, s28;
	p0 =	por p1, p1;
	s0 =	sand.u32 $0x1800, s29;
	v54 =	vadd.f32 v22, v19;
	v16 =	vsel vm0, v26, v41;
	v62 =	vld.idx.msk [tilespmem:v17+s16+$0x0], $0xffff  }
0x108: {  	s30 =	simm.s32 $0x1;
	s31 =	simm.s32 $0x0;
	s13 =	sor.u32 s13, s0;
	v25 =	vmovc v26;
	v26 =	vld [tilespmem:$0x1FF40];
	v0 =	vadd.f32 v63, v24;
	v24 =	vlaneseq.u32;
	v63 =	vadd.f32 v20, v18  }
.LBB2_8:
0x109: {  	_ = 	snop  }
0x10a: {  	v0 =	vadd.f32 v0, v16;
	v16 =	vadd.f32 v59, v61  }
0x10b: {  	v17 =	vsel vm0, v29, v45;
	v18 =	vadd.f32 v57, v60  }
0x10c: {  	s1 =	sadd.s32 $0x19E00, s13;
	[tilespmem:s13+$0x19E00] =	vst v0;
	v0 =	vsel vm0, v27, v43;
	v16 =	vadd.f32 v16, v17  }
0x10d: {  	v19 =	vsel vm0, v32, v26;
	[tilespmem:s1+$0x60] =	vst v63;
	v0 =	vadd.f32 v18, v0  }
0x10e: {  	v19 =	vadd.f32 v54, v19;
	v18 =	vadd.f32 v55, v53;
	[tilespmem:s1+$0x40] =	vst v16  }
0x10f: {  	v17 =	vsel vm0, v30, v46;
	v16 =	vadd.f32 v62, v58;
	[tilespmem:s1+$0x20] =	vst v0;
	v0 =	vor.u32 v8, v48  }
0x110: {  	v20 =	vsel vm0, v28, v44;
	[tilespmem:s1+$0x10] =	vst v56;
	v17 =	vadd.f32 v18, v17;
	v18 =	vor.u32 v8, v51  }
0x111: {  	[tilespmem:s1+$0x70] =	vst v19;
	v19 =	vor.u32 v9, v48;
	v16 =	vadd.f32 v16, v20  }
0x112: {  	v23 =	vld [tilespmem:$0x1FFE0];
	v62 =	vor.u32 v10, v51;
	[tilespmem:s1+$0x50] =	vst v17  }
0x113: {  	v21 =	vor.u32 v11, v48;
	v59 =	vld [tilespmem:$0x1FFD0];
	[tilespmem:s1+$0x30] =	vst v16  }
0x114: {  	v63 =	vor.u32 v12, v48;
	v0 =	vld.idx.msk [tilespmem:v0+s15+$0x0], $0xffff  }
0x115: {  	v17 =	vor.u32 v10, v48;
	v18 =	vld.idx.msk [tilespmem:v18+s16+$0x0], $0xffff  }
0x116: {  	v61 =	vor.u32 v12, v51;
	v19 =	vld.idx.msk [tilespmem:v19+s15+$0x0], $0xffff  }
0x117: {  	v20 =	vld.idx.msk [tilespmem:v62+s16+$0x0], $0xffff  }
0x118: {  	v16 =	vor.u32 v9, v51;
	v21 =	vld.idx.msk [tilespmem:v21+s15+$0x0], $0xffff  }
0x119: {  	v22 =	vor.u32 v11, v51;
	v53 =	vld.idx.msk [tilespmem:v63+s15+$0x0], $0xffff  }
0x11a: {  	v62 =	vor.u32 v13, v51;
	v17 =	vld.idx.msk [tilespmem:v17+s15+$0x0], $0xffff  }
0x11b: {  	v55 =	vld.idx.msk [tilespmem:v61+s16+$0x0], $0xffff  }
0x11c: {  	v61 =	vld [tilespmem:$0x1FFC0]  }
0x11d: {  	v16 =	vld.idx.msk [tilespmem:v16+s16+$0x0], $0xffff  }
0x11e: {  	v0 =	vadd.f32 v18, v0;
	v18 =	vld.idx.msk [tilespmem:v22+s16+$0x0], $0xffff  }
0x11f: {  	v60 =	vor.u32 v15, v48;
	v17 =	vadd.f32 v20, v17;
	v20 =	vld.idx.msk [tilespmem:v62+s16+$0x0], $0xffff  }
0x120: {  	v63 =	vsel vm0, v33, v23;
	v22 =	vor.u32 v13, v48;
	v62 =	vld [tilespmem:$0x1FFB0]  }
0x121: {  	v57 =	vor.u32 v15, v51;
	v0 =	vadd.f32 v0, v63;
	v63 =	vld [tilespmem:$0x1FFA0]  }
0x122: {  	s0 =	smov.u32 s30;
	v48 =	vor.u32 v14, v48  }
0x123: {  	v56 =	vmov s0;
	v51 =	vor.u32 v14, v51;
	v16 =	vadd.f32 v16, v19  }
0x124: {  	v58 =	vsel vm0, v35, v61;
	v61 =	vperm.xlane v50, v56;
	v19 =	vld.idx.msk [tilespmem:v60+s15+$0x0], $0xffff;
	v60 =	vsel vm0, v34, v59  }
0x125: {  	v53 =	vadd.f32 v55, v53;
	v22 =	vld.idx.msk [tilespmem:v22+s15+$0x0], $0xffff;
	v16 =	vadd.f32 v16, v60;
	v60 =	vperm.xlane v49, v56  }
0x126: {  	v18 =	vadd.f32 v18, v21;
	v21 =	vld.idx.msk [tilespmem:v57+s16+$0x0], $0xffff;
	v59 =	vsel vm0, v37, v62;
	v57 =	vsel vm0, v36, v63  }
0x127: {  	v55 =	vld.idx.msk [tilespmem:v48+s15+$0x0], $0xffff;
	v63 =	vshll.u32 v61, $0x7;
	v23 =	vshll.u32 v60, $0x8;
	v60 =	vshll.u32 v60, $0x7  }
0x128: {  	v18 =	vadd.f32 v18, v57;
	v57 =	vld.idx.msk [tilespmem:v51+s16+$0x0], $0xffff;
	[tilespmem:s1+$0x400] =	vst v0;
	v0 =	vshll.u32 v61, $0x8;
	v62 =	vand.u32 $0xFFFFF800, v23  }
0x129: {  	v23 =	vand.u32 $0x380, v60;
	v60 =	vand.u32 $0x380, v63;
	v0 =	vand.u32 $0xFFFFF800, v0  }
0x12a: {  	v51 =	vor.u32 v60, v0;
	v0 =	vld [tilespmem:$0x1FF90];
	_ =	sdelay $0x1  }
0x12b: {  	v54 =	vld [tilespmem:$0x1FF80];
	_ =	sdelay $0x1  }
0x12c: {  	v17 =	vadd.f32 v17, v58;
	v58 =	vld [tilespmem:$0x1FF70];
	v20 =	vadd.f32 v20, v22  }
0x12d: {  	v0 =	vsel vm0, v38, v0  }
0x12e: {  	[tilespmem:s1+$0x410] =	vst v16;
	v0 =	vadd.f32 v20, v0  }
0x12f: {  	v54 =	vsel vm0, v40, v54;
	[tilespmem:s1+$0x420] =	vst v17;
	v48 =	vor.u32 v23, v62;
	v17 =	vadd.f32 v21, v19  }
0x130: {  	v53 =	vadd.f32 v53, v59;
	v19 =	vor.u32 v24, v48;
	[tilespmem:s1+$0x450] =	vst v0;
	v0 =	vadd.f32 v57, v55  }
0x131: {  	v59 =	vsel vm0, v39, v58;
	[tilespmem:s1+$0x430] =	vst v18;
	v18 =	vor.u32 v1, v51;
	v17 =	vadd.f32 v17, v54  }
0x132: {  	[tilespmem:s1+$0x440] =	vst v53;
	v62 =	vor.u32 v1, v48;
	v0 =	vadd.f32 v0, v59  }
0x133: {  	v63 =	vor.u32 v7, v48;
	[tilespmem:s1+$0x470] =	vst v17  }
0x134: {  	v60 =	vld [tilespmem:$0x1FFF0];
	v53 =	vor.u32 v6, v51;
	[tilespmem:s1+$0x460] =	vst v0  }
0x135: {  	v20 =	vor.u32 v5, v48;
	v0 =	vld.idx.msk [tilespmem:v19+s15+$0x0], $0xffff  }
0x136: {  	v22 =	vor.u32 v7, v51;
	v18 =	vld.idx.msk [tilespmem:v18+s16+$0x0], $0xffff  }
0x137: {  	v17 =	vor.u32 v24, v51;
	v21 =	vld.idx.msk [tilespmem:v62+s15+$0x0], $0xffff  }
0x138: {  	v19 =	vor.u32 v6, v48;
	v58 =	vld.idx.msk [tilespmem:v63+s15+$0x0], $0xffff  }
0x139: {  	v54 =	vor.u32 v4, v51;
	v63 =	vld.idx.msk [tilespmem:v53+s16+$0x0], $0xffff  }
0x13a: {  	v57 =	vor.u32 v4, v48;
	v53 =	vld.idx.msk [tilespmem:v20+s15+$0x0], $0xffff  }
0x13b: {  	v55 =	vor.u32 v5, v51;
	v22 =	vld.idx.msk [tilespmem:v22+s16+$0x0], $0xffff  }
0x13c: {  	v20 =	vor.u32 v2, v51;
	v17 =	vld.idx.msk [tilespmem:v17+s16+$0x0], $0xffff  }
0x13d: {  	v56 =	vperm.xlane v52, v56;
	v16 =	vor.u32 v2, v48;
	v19 =	vld.idx.msk [tilespmem:v19+s15+$0x0], $0xffff  }
0x13e: {  	v23 =	vor.u32 v3, v48;
	v59 =	vld.idx.msk [tilespmem:v54+s16+$0x0], $0xffff  }
0x13f: {  	p1 =	sne.s32 s30, $0xF;
	vm1 =	veq.s32 v56, $0x0;
	v62 =	vor.u32 v3, v51;
	v61 =	vld.idx.msk [tilespmem:v57+s15+$0x0], $0xffff  }
.Ltmp2:
0x140: {  	vm0 =	vmmov vm1;
	v55 =	vld.idx.msk [tilespmem:v55+s16+$0x0], $0xffff;
	v18 =	vadd.f32 v18, v21;
	(pc) =	sbr.rel @p1 .LBB2_8-.Ltmp2, $4  }
0x141: {  	v21 =	vsel vm0, v60, v42;
	v57 =	vld.idx.msk [tilespmem:v20+s16+$0x0], $0xffff  }
0x142: {  	s31 =	sadd.s32 $0x80, s31;
	s29 =	sadd.s32 $0x100, s29;
	v60 =	vld.idx.msk [tilespmem:v16+s15+$0x0], $0xffff;
	v56 =	vadd.f32 v18, v21;
	v18 =	vadd.f32 v63, v19  }
0x143: {  	s13 =	sand.u32 $0x380, s31;
	s1 =	sand.u32 $0x1800, s29;
	v54 =	vadd.f32 v22, v58;
	v0 =	vadd.f32 v17, v0;
	v58 =	vld.idx.msk [tilespmem:v23+s15+$0x0], $0xffff;
	v17 =	vsel vm0, v31, v47  }
0x144: {  	s30 =	sadd.s32 $0x1, s30;
	s13 =	sor.u32 s13, s1;
	v16 =	vsel vm0, v25, v41;
	v62 =	vld.idx.msk [tilespmem:v62+s16+$0x0], $0xffff;
	v63 =	vadd.f32 v18, v17  }
0x145: {  	_ = 	snop  }
0x146: {  	v0 =	vadd.f32 v0, v16;
	v16 =	vadd.f32 v59, v61;
	s1 =	sadd.s32 $0x19E00, s13  }
0x147: {  	v18 =	vsel vm0, v29, v45;
	[tilespmem:s1+$0x60] =	vst v63;
	v17 =	vadd.f32 v57, v60  }
0x148: {  	v19 =	vsel vm0, v27, v43;
	v20 =	vor.u32 v8, v48;
	v16 =	vadd.f32 v16, v18;
	[tilespmem:s13+$0x19E00] =	vst v0  }
0x149: {  	v57 =	vsel vm0, v32, v26;
	[tilespmem:s1+$0x10] =	vst v56;
	v0 =	vadd.f32 v17, v19;
	v17 =	vadd.f32 v62, v58  }
0x14a: {  	v56 =	vadd.f32 v55, v53;
	[tilespmem:s1+$0x40] =	vst v16;
	v16 =	vsel vm0, v28, v44;
	v19 =	vadd.f32 v54, v57  }
0x14b: {  	v21 =	vsel vm0, v30, v46;
	v58 =	vor.u32 v9, v48;
	[tilespmem:s1+$0x20] =	vst v0;
	v0 =	vadd.f32 v17, v16  }
0x14c: {  	v22 =	vor.u32 v11, v51;
	v17 =	vadd.f32 v56, v21;
	[tilespmem:s1+$0x70] =	vst v19  }
0x14d: {  	v23 =	vor.u32 v12, v48;
	v27 =	vld [tilespmem:$0x1FF90];
	[tilespmem:s1+$0x30] =	vst v0  }
0x14e: {  	v49 =	vor.u32 v15, v48;
	v32 =	vld [tilespmem:$0x1FFE0];
	[tilespmem:s1+$0x50] =	vst v17  }
0x14f: {  	v50 =	vor.u32 v12, v51;
	v19 =	vld.idx.msk [tilespmem:v20+s15+$0x0], $0xffff  }
0x150: {  	v52 =	vor.u32 v13, v51;
	v18 =	vld.idx.msk [tilespmem:v58+s15+$0x0], $0xffff  }
0x151: {  	v59 =	vor.u32 v13, v48;
	v22 =	vld.idx.msk [tilespmem:v22+s16+$0x0], $0xffff  }
0x152: {  	v60 =	vor.u32 v15, v51;
	v23 =	vld.idx.msk [tilespmem:v23+s15+$0x0], $0xffff  }
0x153: {  	v61 =	vor.u32 v14, v51;
	v49 =	vld.idx.msk [tilespmem:v49+s15+$0x0], $0xffff  }
0x154: {  	v50 =	vld.idx.msk [tilespmem:v50+s16+$0x0], $0xffff  }
0x155: {  	v0 =	vor.u32 v9, v51;
	v52 =	vld.idx.msk [tilespmem:v52+s16+$0x0], $0xffff  }
0x156: {  	v17 =	vor.u32 v10, v48;
	v53 =	vld.idx.msk [tilespmem:v59+s15+$0x0], $0xffff  }
0x157: {  	v20 =	vor.u32 v10, v51;
	v63 =	vld.idx.msk [tilespmem:v60+s16+$0x0], $0xffff  }
0x158: {  	v45 =	vld.idx.msk [tilespmem:v61+s16+$0x0], $0xffff  }
0x159: {  	v16 =	vor.u32 v8, v51;
	v51 =	vld [tilespmem:$0x1FFD0]  }
0x15a: {  	v0 =	vld.idx.msk [tilespmem:v0+s16+$0x0], $0xffff  }
0x15b: {  	v21 =	vor.u32 v11, v48;
	v17 =	vld.idx.msk [tilespmem:v17+s15+$0x0], $0xffff  }
0x15c: {  	v62 =	vor.u32 v14, v48;
	v20 =	vld.idx.msk [tilespmem:v20+s16+$0x0], $0xffff  }
0x15d: {  	v58 =	vld [tilespmem:$0x1FFC0]  }
0x15e: {  	v16 =	vld.idx.msk [tilespmem:v16+s16+$0x0], $0xffff  }
0x15f: {  	v60 =	vld [tilespmem:$0x1FFB0]  }
0x160: {  	v21 =	vld.idx.msk [tilespmem:v21+s15+$0x0], $0xffff  }
0x161: {  	v0 =	vadd.f32 v0, v18;
	v17 =	vadd.f32 v20, v17;
	v20 =	vld.idx.msk [tilespmem:v62+s15+$0x0], $0xffff  }
0x162: {  	v57 =	vsel vm0, v34, v51;
	v62 =	vld [tilespmem:$0x1FFA0]  }
0x163: {  	v59 =	vsel vm0, v35, v58;
	v34 =	vld [tilespmem:$0x1FF70];
	v16 =	vadd.f32 v16, v19;
	v0 =	vadd.f32 v0, v57  }
0x164: {  	v24 =	vld [tilespmem:$0x1FF80];
	v43 =	vsel vm0, v33, v32;
	v23 =	vadd.f32 v50, v23;
	v17 =	vadd.f32 v17, v59  }
0x165: {  	v61 =	vsel vm0, v37, v60;
	v16 =	vadd.f32 v16, v43;
	[tilespmem:s1+$0x410] =	vst v0;
	v0 =	vadd.f32 v52, v53  }
0x166: {  	v21 =	vadd.f32 v22, v21;
	v22 =	vadd.f32 v23, v61;
	[tilespmem:s1+$0x420] =	vst v17;
	v17 =	vsel vm0, v38, v27  }
0x167: {  	[tilespmem:s1+$0x400] =	vst v16;
	v16 =	vsel vm0, v36, v62;
	v0 =	vadd.f32 v0, v17;
	v17 =	vadd.f32 v45, v20  }
.Ltmp3:
0x168: {  	v19 =	vadd.f32 v63, v49;
	[tilespmem:s1+$0x440] =	vst v22;
	v63 =	vsel vm0, v39, v34;
	v16 =	vadd.f32 v21, v16;
	(pc) =	sbr.rel @p0 .LBB2_7-.Ltmp3, $4  }
0x169: {  	v21 =	vsel vm0, v40, v24;
	[tilespmem:s1+$0x450] =	vst v0;
	v0 =	vadd.f32 v17, v63  }
0x16a: {  	[tilespmem:s1+$0x430] =	vst v16;
	v16 =	vadd.f32 v19, v21  }
0x16b: {  	[tilespmem:s1+$0x460] =	vst v0  }
0x16c: {  	s0 =	simm.s32 $0x10;
	p1 =	por $0x0, $0x0;
	v29 =	vmovc v28;
	v26 =	vmov v25;
	v25 =	vld [tilespmem:$0x1FFF0];
	v23 =	vlaneseq.u32;
	v45 =	vmov v31;
	[tilespmem:s1+$0x470] =	vst v16  }
0x16d: {  	v19 =	vld [tilespmem:$0x1FEA0]  }
0x16e: {  	v18 =	vld [tilespmem:$0x1FEB0]  }
0x16f: {  	v20 =	vld [tilespmem:$0x1FEC0]  }
0x170: {  	v17 =	vld [tilespmem:$0x1FED0]  }
0x171: {  	s24 =	sadd.s32 $0x1, s24;
	v43 =	vld [tilespmem:$0x1FEE0]  }
0x172: {  	v37 =	vld [tilespmem:$0x1FEF0];
	p0 =	sne.s32 s24, $0x10  }
.Ltmp4:
0x173: {  	s0 =	sshll.u32 s25, $0xF;
	v32 =	vld [tilespmem:$0x1FF00];
	(pc) =	sbr.rel @p0 .LBB2_2-.Ltmp4, $4  }
0x174: {  	v30 =	vld [tilespmem:$0x1FF10];
	s0 =	sadd.s32 s10, s0  }
0x175: {  	v24 =	vld [tilespmem:$0x1FF20];
	s0 =	sshrl.u32 s0, $0x3  }
0x176: {  	v27 =	vld [tilespmem:$0x1FF30];
	s0 =	sadd.s32 s2, s0  }
0x177: {  	v26 =	vld [tilespmem:$0x1FF40];
	[hbm4b:s0+s14] =	stream.strided.scatter [tilespmem:s20], [sflag:$0x2], $0x2000, s18, s14, $0x38  }
0x178: {  	s23 =	sadd.s32 $0x1, s23  }
0x179: {  	_ =	swait.ge [sflag:s21], $0x2000;
	p0 =	sne.s32 s23, s11  }
.Ltmp5:
0x17a: {  	[sflag:s21] =	ssyncset.done $0x0;
	(pc) =	sbr.rel @p0 .LBB2_1-.Ltmp5, $4  }
0x17b: {  	[sflag:s21] =	ssyncadd.s32 $0xFFFFE000  }
0x17c: {  	_ =	swait.ge [sflag:s22], $0x2000  }
0x17d: {  	[sflag:s22] =	ssyncset.done $0x0  }
0x17e: {  	[sflag:s22] =	ssyncadd.s32 $0xFFFFE000  }
0x17f: {  	_ =	sfence.sel $0x180000  }
0x180: {  	[bflag:$0x0] =	sbarrier.arrive $0xFFFF  }
0x181: {  	_ =	strace $0x90000047  }
0x182: {  	s0 =	stileid.u32;
	[bflag:$0x2] =	sbarrier.arrive $0xFFFF  }
0x183: {  	p0 =	sne.s32 s0, $0x0;
	s0 =	rddreg [dreg:$0x6]  }
0x184: {  	s0 =	sadd.s32 @!p0 $0x100000, s0  }
0x185: {  	[sflag:s0] =	ssyncadd.tile.s32 @!p0 $0x1;
	_ =	shalt  }
.Lfunc_end2:
_tile_overlayer_lowered:
.L_overlay_start_2:
0x186: {  	(tag) =	ssettag $0x2  }
0x187: {  	s0 =	rddreg [dreg:$0x0];
	s2 =	stileid.u32  }
0x188: {  	s1 =	rddreg [dreg:$0x1];
	p0 =	sne.s32 s2, $0x0  }
0x189: {  	s3 =	rddreg [dreg:$0x2];
	[bflag:$0x3] =	sbarrier.arrive $0xFFFF;
	s2 =	simm.s32 @!p0 $0x1C03  }
0x18a: {  	[timem:s3], [sflag:s2] =	dma.local @!p0 [hbm:s0], s1  }
0x18b: {  	s0 =	simm.s32 @!p0 $0x3  }
0x18c: {  	_ =	swait.ge @!p0 [sflag:s0], s1  }
0x18d: {  	s1 =	ssub.s32 @!p0 $0x0, s1;
	[sflag:s0] =	ssyncset.done @!p0 $0x0  }
0x18e: {  	[sflag:s0] =	ssyncadd.s32 @!p0 s1  }
0x18f: {  	[bflag:$0x3] =	sbarrier.arrive $0xFFFF  }
0x190: {  	_ =	shalt  }

</sc_bundles>
